<compile_context>
chip_gen: v7x
topology: tpu7x:2x2x1
jax: 0.10.2.dev20260603
libtpu: 0.0.44.dev20260713+nightly
codegen_flags: <defaults>
</compile_context>

<pallas_src>
import functools

import jax
import jax.numpy as jnp
from jax import lax
from jax.experimental import pallas as pl
from jax.experimental.pallas import tpu as pltpu
from jax.experimental.pallas import tpu_sc as plsc

NC = 2
NS = 16
NW = NC * NS
K_EDGE = 128


@functools.partial(jax.jit, static_argnums=(4, 5, 6))
def _edge_aggregate(h, srcp, dstp, zeros_nh, N, H, NB):
    npad = N + 8
    rpt = (N // NS) // 8 * 8
    tail0 = rpt * NS
    tail = N - tail0
    NP = NB // 2

    packed = (srcp | (dstp << 16)).reshape(NW * NB, K_EDGE)

    mesh = plsc.VectorSubcoreMesh(core_axis_name="c", subcore_axis_name="s")

    @functools.partial(
        pl.kernel,
        out_type=jax.ShapeDtypeStruct((NC, N, H), jnp.float32),
        mesh=mesh,
        scratch_types=[
            pltpu.VMEM((NB, K_EDGE), jnp.int32),
            pltpu.VMEM((K_EDGE,), jnp.int32),
            pltpu.VMEM((K_EDGE,), jnp.int32),
            pltpu.VMEM((K_EDGE,), jnp.int32),
            pltpu.VMEM((K_EDGE,), jnp.int32),
            pltpu.VMEM((K_EDGE, H), jnp.float32),
            pltpu.VMEM((K_EDGE, H), jnp.float32),
            pltpu.VMEM_SHARED((npad, H), jnp.float32),
            pltpu.SemaphoreType.DMA,
            pltpu.SemaphoreType.DMA,
            pltpu.SemaphoreType.DMA,
            pltpu.SemaphoreType.DMA,
        ],
    )
    def sc_kernel(h_hbm, pk_hbm, z_hbm, out_hbm, pidx, sidx0, didx0, sidx1,
                  didx1, rows0, rows1, aggr, sem0, sem1, sems0, sems1):
        c = lax.axis_index("c")
        s = lax.axis_index("s")
        wid = s * NC + c
        r0 = s * rpt
        zcp = pltpu.make_async_copy(z_hbm.at[pl.ds(r0, rpt)],
                                    aggr.at[pl.ds(r0, rpt)], sems0)
        zcp.start()
        if tail > 0:
            @pl.when(s == NS - 1)
            def _():
                pltpu.async_copy(z_hbm.at[pl.ds(tail0, tail)],
                                 aggr.at[pl.ds(tail0, tail)], sems1).wait()
        pltpu.sync_copy(pk_hbm.at[pl.ds(wid * NB, NB)], pidx)

        def unpack(j, sb, db):
            for i in range(K_EDGE // 16):
                v = pidx[j, pl.ds(i * 16, 16)]
                sb[pl.ds(i * 16, 16)] = v & 0xFFFF
                db[pl.ds(i * 16, 16)] = jnp.right_shift(v, 16)

        def gather(sb, rows, sem):
            return pltpu.make_async_copy(h_hbm.at[sb], rows, sem)

        unpack(0, sidx0, didx0)
        unpack(1, sidx1, didx1)
        gather(sidx0, rows0, sem0).start()
        gather(sidx1, rows1, sem1).start()
        zcp.wait()
        plsc.subcore_barrier()

        def body(p, carry):
            j0 = 2 * p
            gather(sidx0, rows0, sem0).wait()
            pltpu.sync_copy(rows0, aggr.at[didx0], add=True)
            unpack(j0 + 2, sidx0, didx0)
            gather(sidx0, rows0, sem0).start()
            gather(sidx1, rows1, sem1).wait()
            pltpu.sync_copy(rows1, aggr.at[didx1], add=True)
            unpack(j0 + 3, sidx1, didx1)
            gather(sidx1, rows1, sem1).start()
            return carry

        lax.fori_loop(0, NP - 1, body, 0)
        gather(sidx0, rows0, sem0).wait()
        pltpu.sync_copy(rows0, aggr.at[didx0], add=True)
        gather(sidx1, rows1, sem1).wait()
        pltpu.sync_copy(rows1, aggr.at[didx1], add=True)

        plsc.subcore_barrier()
        pltpu.sync_copy(aggr.at[pl.ds(r0, rpt)], out_hbm.at[c, pl.ds(r0, rpt)])
        if tail > 0:
            @pl.when(s == NS - 1)
            def _():
                pltpu.sync_copy(aggr.at[pl.ds(tail0, tail)],
                                out_hbm.at[c, pl.ds(tail0, tail)])

    return sc_kernel(h, packed, zeros_nh)


@functools.partial(jax.jit, static_argnums=(3, 4, 5))
def _count_matrix(packed2d, batch1d, zeros_flat, N, G, NB):
    npad = N + 8
    NG = N * G
    wpt = NG // NS

    mesh = plsc.VectorSubcoreMesh(core_axis_name="c", subcore_axis_name="s")

    NP = NB // 2
    scratch_types = [pltpu.VMEM((NB, K_EDGE), jnp.int32)]
    scratch_types += [pltpu.VMEM((K_EDGE,), jnp.int32)] * 6
    scratch_types += [
        pltpu.VMEM((K_EDGE,), jnp.float32),
        pltpu.VMEM_SHARED((npad * G,), jnp.float32),
    ]
    scratch_types += [pltpu.SemaphoreType.DMA] * 4

    @functools.partial(
        pl.kernel,
        out_type=jax.ShapeDtypeStruct((NC, NG), jnp.float32),
        mesh=mesh,
        scratch_types=scratch_types,
    )
    def sc_kernel(pk_hbm, b_hbm, z_hbm, out_hbm, pidx, sbuf0, sbuf1, bbuf0,
                  bbuf1, fbuf0, fbuf1, ones, mflat, semb0, semb1, sems0,
                  sems1):
        c = lax.axis_index("c")
        s = lax.axis_index("s")
        wid = s * NC + c
        pltpu.sync_copy(pk_hbm.at[pl.ds(wid * NB, NB)], pidx)
        pltpu.sync_copy(z_hbm.at[pl.ds(s * wpt, wpt)],
                        mflat.at[pl.ds(s * wpt, wpt)])
        for i in range(K_EDGE // 16):
            ones[pl.ds(i * 16, 16)] = jnp.full((16,), 1.0, jnp.float32)
        plsc.subcore_barrier()

        def unpack_s(j, sb):
            for i in range(K_EDGE // 16):
                v = pidx[j, pl.ds(i * 16, 16)]
                sb[pl.ds(i * 16, 16)] = v & 0xFFFF

        def fill_f(j, bb, fb):
            for i in range(K_EDGE // 16):
                v = pidx[j, pl.ds(i * 16, 16)]
                fb[pl.ds(i * 16, 16)] = (jnp.right_shift(v, 16) * G
                                         + bb[pl.ds(i * 16, 16)])

        def bgather(sb, bb, sem):
            return pltpu.make_async_copy(b_hbm.at[sb], bb, sem)

        def scat(fb, sem):
            return pltpu.make_async_copy(ones, mflat.at[fb], sem)

        unpack_s(0, sbuf0)
        bgather(sbuf0, bbuf0, semb0).start()
        unpack_s(1, sbuf1)
        bgather(sbuf1, bbuf1, semb1).start()

        def body(p, carry):
            j0 = 2 * p
            bgather(sbuf0, bbuf0, semb0).wait()
            fill_f(j0, bbuf0, fbuf0)
            pltpu.async_copy(ones, mflat.at[fbuf0], sems0, add=True)
            bgather(sbuf1, bbuf1, semb1).wait()
            fill_f(j0 + 1, bbuf1, fbuf1)
            pltpu.async_copy(ones, mflat.at[fbuf1], sems1, add=True)
            scat(fbuf0, sems0).wait()
            unpack_s(j0 + 2, sbuf0)
            bgather(sbuf0, bbuf0, semb0).start()
            scat(fbuf1, sems1).wait()
            unpack_s(j0 + 3, sbuf1)
            bgather(sbuf1, bbuf1, semb1).start()
            return carry

        lax.fori_loop(0, NP - 1, body, 0)
        j0 = NB - 2
        bgather(sbuf0, bbuf0, semb0).wait()
        fill_f(j0, bbuf0, fbuf0)
        pltpu.async_copy(ones, mflat.at[fbuf0], sems0, add=True)
        bgather(sbuf1, bbuf1, semb1).wait()
        fill_f(j0 + 1, bbuf1, fbuf1)
        pltpu.async_copy(ones, mflat.at[fbuf1], sems1, add=True)
        scat(fbuf0, sems0).wait()
        scat(fbuf1, sems1).wait()
        plsc.subcore_barrier()
        pltpu.sync_copy(mflat.at[pl.ds(s * wpt, wpt)],
                        out_hbm.at[c, pl.ds(s * wpt, wpt)])

    return sc_kernel(packed2d, batch1d, zeros_flat)


def _onehot(b2d, bn, g):
    return (b2d == lax.broadcasted_iota(jnp.int32, (bn, g), 1)).astype(
        jnp.float32)


def _bcast_body(bn, g, h_ref, vn_ref, b_ref, o_ref):
    oh = _onehot(b_ref[...], bn, g)
    o_ref[...] = h_ref[...] + jnp.dot(oh, vn_ref[...],
                                      preferred_element_type=jnp.float32)


def _vn_broadcast(h, vn, b2d, BN):
    N, H = h.shape
    G = vn.shape[0]
    return pl.pallas_call(
        functools.partial(_bcast_body, BN, G),
        grid=(N // BN,),
        in_specs=[
            pl.BlockSpec((BN, H), lambda i: (i, 0)),
            pl.BlockSpec((G, H), lambda i: (0, 0)),
            pl.BlockSpec((BN, 1), lambda i: (i, 0)),
        ],
        out_specs=pl.BlockSpec((BN, H), lambda i: (i, 0)),
        out_shape=jax.ShapeDtypeStruct((N, H), jnp.float32),
    )(h, vn, b2d)


def _msum_body(a_ref, b_ref, o_ref):
    o_ref[...] = a_ref[...] + b_ref[...]


def _msum(a, b, BN):
    N, G = a.shape
    return pl.pallas_call(
        _msum_body,
        grid=(N // BN,),
        in_specs=[
            pl.BlockSpec((BN, G), lambda i: (i, 0)),
            pl.BlockSpec((BN, G), lambda i: (i, 0)),
        ],
        out_specs=pl.BlockSpec((BN, G), lambda i: (i, 0)),
        out_shape=jax.ShapeDtypeStruct((N, G), jnp.float32),
    )(a, b)


def _gin_common(bn, g, h_ref, p0_ref, p1_ref, b_ref, w1_ref,
                b1_ref, w2_ref, b2_ref, eps_ref):
    oh = _onehot(b_ref[...], bn, g)
    h_in = h_ref[...]
    aggr = p0_ref[...] + p1_ref[...]
    z = (1.0 + eps_ref[0, 0]) * h_in + aggr
    hid = jnp.maximum(
        jnp.dot(z, w1_ref[...], preferred_element_type=jnp.float32)
        + b1_ref[...], 0.0)
    z2 = jnp.dot(hid, w2_ref[...],
                 preferred_element_type=jnp.float32) + b2_ref[...]
    h_new = jnp.maximum(z2, 0.0) + h_in
    return h_in, h_new, oh


def _dense_body(bn, g, h_ref, p0_ref, p1_ref, b_ref, w1_ref,
                b1_ref, w2_ref, b2_ref, eps_ref, vn_ref, vw1_ref, vb1_ref,
                vw2_ref, vb2_ref, hn_ref, vno_ref, seg_ref):
    h_in, h_new, oh = _gin_common(bn, g, h_ref, p0_ref, p1_ref,
                                  b_ref, w1_ref, b1_ref, w2_ref, b2_ref,
                                  eps_ref)
    hn_ref[...] = h_new
    seg = jnp.dot(oh.T, h_in, preferred_element_type=jnp.float32)

    @pl.when(pl.program_id(0) == 0)
    def _():
        seg_ref[...] = seg

    @pl.when(pl.program_id(0) != 0)
    def _():
        seg_ref[...] += seg

    @pl.when(pl.program_id(0) == pl.num_programs(0) - 1)
    def _():
        vn = vn_ref[...]
        t = seg_ref[...] + vn
        t = jnp.maximum(
            jnp.dot(t, vw1_ref[...], preferred_element_type=jnp.float32)
            + vb1_ref[...], 0.0)
        vno_ref[...] = vn + jnp.maximum(
            jnp.dot(t, vw2_ref[...], preferred_element_type=jnp.float32)
            + vb2_ref[...], 0.0)


def _gin_in_specs(BN, H, H2, G):
    return [
        pl.BlockSpec((BN, H), lambda i: (i, 0)),
        pl.BlockSpec((BN, H), lambda i: (i, 0)),
        pl.BlockSpec((BN, H), lambda i: (i, 0)),
        pl.BlockSpec((BN, 1), lambda i: (i, 0)),
        pl.BlockSpec((H, H2), lambda i: (0, 0)),
        pl.BlockSpec((H2,), lambda i: (0,)),
        pl.BlockSpec((H2, H), lambda i: (0, 0)),
        pl.BlockSpec((H,), lambda i: (0,)),
        pl.BlockSpec((1, 1), lambda i: (0, 0)),
    ]


def _gin_dense(h, p0, p1, b2d, w1, b1, w2, b2, epsl, vn, vw1, vb1, vw2, vb2,
               G, BN):
    N, H = h.shape
    H2 = w1.shape[1]
    return pl.pallas_call(
        functools.partial(_dense_body, BN, G),
        grid=(N // BN,),
        in_specs=_gin_in_specs(BN, H, H2, G) + [
            pl.BlockSpec((G, H), lambda i: (0, 0)),
            pl.BlockSpec((H, H2), lambda i: (0, 0)),
            pl.BlockSpec((H2,), lambda i: (0,)),
            pl.BlockSpec((H2, H), lambda i: (0, 0)),
            pl.BlockSpec((H,), lambda i: (0,)),
        ],
        out_specs=[
            pl.BlockSpec((BN, H), lambda i: (i, 0)),
            pl.BlockSpec((G, H), lambda i: (0, 0)),
        ],
        out_shape=[
            jax.ShapeDtypeStruct((N, H), jnp.float32),
            jax.ShapeDtypeStruct((G, H), jnp.float32),
        ],
        scratch_shapes=[pltpu.VMEM((G, H), jnp.float32)],
    )(h, p0, p1, b2d, w1, b1, w2, b2, epsl, vn, vw1, vb1, vw2, vb2)


def _last_body(bn, g, h_ref, p0_ref, p1_ref, b_ref, w1_ref,
               b1_ref, w2_ref, b2_ref, eps_ref, mg_ref, mc_ref, wpa_ref,
               wpb_ref, wpc_ref, bp1_ref, wp2_ref, bp2_ref, out_ref,
               segmax_ref):
    _, h_new, _ = _gin_common(bn, g, h_ref, p0_ref, p1_ref,
                              b_ref, w1_ref, b1_ref, w2_ref, b2_ref, eps_ref)
    b2d = b_ref[...]
    first = pl.program_id(0) == 0

    def body(gi, carry):
        vals = jnp.where(b2d == gi, h_new, -jnp.inf)
        row = jnp.max(vals, axis=0, keepdims=True)
        cur = segmax_ref[pl.ds(gi, 1), :]
        segmax_ref[pl.ds(gi, 1), :] = jnp.where(first, row,
                                                jnp.maximum(cur, row))
        return carry

    lax.fori_loop(0, g, body, 0)

    @pl.when(pl.program_id(0) == pl.num_programs(0) - 1)
    def _():
        acc = (jnp.dot(segmax_ref[...], wpa_ref[...],
                       preferred_element_type=jnp.float32)
               + jnp.dot(mg_ref[...], wpb_ref[...],
                         preferred_element_type=jnp.float32)
               + jnp.dot(mc_ref[...], wpc_ref[...],
                         preferred_element_type=jnp.float32)
               + bp1_ref[...])
        out_ref[...] = jnp.dot(
            jnp.maximum(acc, 0.0), wp2_ref[...],
            preferred_element_type=jnp.float32) + bp2_ref[...]


def _gin_last(h, p0, p1, b2d, w1, b1, w2, b2, epsl, morgan, maccs, wpa, wpb,
              wpc, bp1, wp2, bp2, G, BN):
    N, H = h.shape
    H2 = w1.shape[1]
    DM = morgan.shape[1]
    DC = maccs.shape[1]
    T = wp2.shape[1]
    P2 = wp2.shape[0]
    return pl.pallas_call(
        functools.partial(_last_body, BN, G),
        grid=(N // BN,),
        in_specs=_gin_in_specs(BN, H, H2, G) + [
            pl.BlockSpec((G, DM), lambda i: (0, 0)),
            pl.BlockSpec((G, DC), lambda i: (0, 0)),
            pl.BlockSpec((H, P2), lambda i: (0, 0)),
            pl.BlockSpec((DM, P2), lambda i: (0, 0)),
            pl.BlockSpec((DC, P2), lambda i: (0, 0)),
            pl.BlockSpec((P2,), lambda i: (0,)),
            pl.BlockSpec((P2, T), lambda i: (0, 0)),
            pl.BlockSpec((T,), lambda i: (0,)),
        ],
        out_specs=pl.BlockSpec((G, T), lambda i: (0, 0)),
        out_shape=jax.ShapeDtypeStruct((G, T), jnp.float32),
        scratch_shapes=[pltpu.VMEM((G, H), jnp.float32)],
    )(h, p0, p1, b2d, w1, b1, w2, b2, epsl, morgan, maccs, wpa, wpb, wpc,
      bp1, wp2, bp2)


def _vn_body(seg_ref, vn_ref, w1_ref, b1_ref, w2_ref, b2_ref, out_ref):
    vn = vn_ref[...]
    t = seg_ref[...] + vn
    t = jnp.maximum(
        jnp.dot(t, w1_ref[...], preferred_element_type=jnp.float32)
        + b1_ref[...], 0.0)
    out_ref[...] = vn + jnp.maximum(
        jnp.dot(t, w2_ref[...], preferred_element_type=jnp.float32)
        + b2_ref[...], 0.0)


def _vn_update(seg, vn, w1, b1, w2, b2):
    return pl.pallas_call(
        _vn_body,
        out_shape=jax.ShapeDtypeStruct(vn.shape, jnp.float32),
    )(seg, vn, w1, b1, w2, b2)


def _pred_body(hrep_ref, mg_ref, mc_ref, wa_ref, wb_ref, wc_ref, bp1_ref,
               wp2_ref, bp2_ref, out_ref):
    acc = (jnp.dot(hrep_ref[...], wa_ref[...],
                   preferred_element_type=jnp.float32)
           + jnp.dot(mg_ref[...], wb_ref[...],
                     preferred_element_type=jnp.float32)
           + jnp.dot(mc_ref[...], wc_ref[...],
                     preferred_element_type=jnp.float32)
           + bp1_ref[...])
    out_ref[...] = jnp.dot(jnp.maximum(acc, 0.0), wp2_ref[...],
                           preferred_element_type=jnp.float32) + bp2_ref[...]


def _predictor(hrep, morgan, maccs, wpa, wpb, wpc, bp1, wp2, bp2):
    G = hrep.shape[0]
    T = wp2.shape[1]
    return pl.pallas_call(
        _pred_body,
        out_shape=jax.ShapeDtypeStruct((G, T), jnp.float32),
    )(hrep, morgan, maccs, wpa, wpb, wpc, bp1, wp2, bp2)


def kernel(x, edge_index, batch, morgan, maccs, W1, b1, W2, b2, eps,
           vnW1, vnb1, vnW2, vnb2, Wp1, bp1, Wp2, bp2):
    N, H = x.shape
    E = edge_index.shape[1]
    G = morgan.shape[0]
    L = W1.shape[0]
    BN = 5000

    src = edge_index[0].astype(jnp.int32)
    dst = edge_index[1].astype(jnp.int32)
    b2d = batch.astype(jnp.int32).reshape(N, 1)

    per_tile = -(-E // NW)
    NB = -(-per_tile // K_EDGE)
    NB = -(-NB // 8) * 8
    E_pad = NW * NB * K_EDGE
    pad = E_pad - E
    pr = jnp.arange(pad, dtype=jnp.int32) % 8
    srcp = jnp.concatenate([src, pr])
    dstp = jnp.concatenate([dst, N + pr])
    zeros_nh = jnp.zeros((N, H), jnp.float32)

    vn = jnp.zeros((G, H), jnp.float32)
    DM = morgan.shape[1]
    h_in = x
    for l in range(L):
        if l > 0:
            h_in = _vn_broadcast(h_in, vn, b2d, BN)
        parts = _edge_aggregate(h_in, srcp, dstp, zeros_nh, N, H, NB)
        eps_l = eps[l].reshape(1, 1)
        if l < L - 1:
            h_in, vn = _gin_dense(h_in, parts[0], parts[1], b2d, W1[l],
                                  b1[l], W2[l], b2[l], eps_l, vn, vnW1[l],
                                  vnb1[l], vnW2[l], vnb2[l], G, BN)
        else:
            return _gin_last(h_in, parts[0], parts[1], b2d, W1[l], b1[l],
                             W2[l], b2[l], eps_l, morgan, maccs, Wp1[:H],
                             Wp1[H:H + DM], Wp1[H + DM:], bp1, Wp2, bp2,
                             G, BN)

# --- scband reference (transcript-rebuilt; emitter-appended) ---
"""Pipeline reference for scband-bfgnn-80410377716482 (READ-ONLY COPY).

The authoritative reference and input builder live on the scoring server;
editing this copy changes nothing except your own understanding.
"""

import jax, jax.numpy as jnp
import numpy as np

N = 10000
E = 320000
H = 128
L = 5
G = 128
T = 10
GRAPH_DIM = H + 1024 + 167

def setup_inputs(seed: int = 0) -> dict:
    key = jax.random.key(seed)
    ks = jax.random.split(key, 24)
    x = jax.random.normal(ks[0], (N, H), dtype=jnp.float32)
    edge_index = jax.random.randint(ks[1], (2, E), 0, N, dtype=jnp.int64)
    batch = jnp.sort(jax.random.randint(ks[2], (N,), 0, G, dtype=jnp.int64))
    morgan = jax.random.uniform(ks[3], (G, 1024), dtype=jnp.float32)
    maccs = jax.random.uniform(ks[4], (G, 167), dtype=jnp.float32)
    # GIN layer MLP params (stacked over layers): Linear(H,2H)-ReLU-Linear(2H,H)
    W1 = jax.random.normal(ks[5], (L, H, 2 * H), dtype=jnp.float32) * 0.05
    b1 = jnp.zeros((L, 2 * H), dtype=jnp.float32)
    W2 = jax.random.normal(ks[6], (L, 2 * H, H), dtype=jnp.float32) * 0.05
    b2 = jnp.zeros((L, H), dtype=jnp.float32)
    eps = jnp.zeros((L,), dtype=jnp.float32)
    # virtual-node update MLP params (used for layers 0..L-2)
    vnW1 = jax.random.normal(ks[7], (L, H, 2 * H), dtype=jnp.float32) * 0.05
    vnb1 = jnp.zeros((L, 2 * H), dtype=jnp.float32)
    vnW2 = jax.random.normal(ks[8], (L, 2 * H, H), dtype=jnp.float32) * 0.05
    vnb2 = jnp.zeros((L, H), dtype=jnp.float32)
    # predictor MLP: Linear(GRAPH_DIM, 2H)-ReLU-Linear(2H, T)
    Wp1 = jax.random.normal(ks[9], (GRAPH_DIM, 2 * H), dtype=jnp.float32) * 0.02
    bp1 = jnp.zeros((2 * H,), dtype=jnp.float32)
    Wp2 = jax.random.normal(ks[10], (2 * H, T), dtype=jnp.float32) * 0.02
    bp2 = jnp.zeros((T,), dtype=jnp.float32)
    return {"x": x, "edge_index": edge_index, "batch": batch, "morgan": morgan, "maccs": maccs,
            "W1": W1, "b1": b1, "W2": W2, "b2": b2, "eps": eps,
            "vnW1": vnW1, "vnb1": vnb1, "vnW2": vnW2, "vnb2": vnb2,
            "Wp1": Wp1, "bp1": bp1, "Wp2": Wp2, "bp2": bp2}

def reference(x, edge_index, batch, morgan, maccs, W1, b1, W2, b2, eps,
              vnW1, vnb1, vnW2, vnb2, Wp1, bp1, Wp2, bp2):
    src = edge_index[0]
    dst = edge_index[1]
    vn = jnp.zeros((G, H), dtype=x.dtype)
    h = x
    for l in range(L):
        # broadcast virtual node embedding to all nodes of each graph
        h = h + vn[batch]
        # GIN message passing: sum-aggregate neighbor features (scatter-add over edges)
        aggr = jnp.zeros((N, H), dtype=h.dtype).at[dst].add(h[src])
        z = (1.0 + eps[l]) * h + aggr
        z = jax.nn.relu(jnp.dot(z, W1[l]) + b1[l])
        z = jnp.dot(z, W2[l]) + b2[l]
        h_new = jax.nn.relu(z) + h  # residual, norm as identity (eval mode)
        if l < L - 1:
            vn_tmp = jax.ops.segment_sum(h, batch, num_segments=G) + vn
            vn_tmp = jax.nn.relu(jnp.dot(vn_tmp, vnW1[l]) + vnb1[l])
            vn = vn + jax.nn.relu(jnp.dot(vn_tmp, vnW2[l]) + vnb2[l])
        h = h_new
    # global max pooling over graphs
    h_rep = jax.ops.segment_max(h, batch, num_segments=G)
    # augmented graph features: morgan then maccs
    h_rep = jnp.concatenate([h_rep, morgan, maccs], axis=1)
    # predictor MLP
    out = jax.nn.relu(jnp.dot(h_rep, Wp1) + bp1)
    prediction = jnp.dot(out, Wp2) + bp2
    return prediction

if __name__ == "__main__":
    import jax
    _d = setup_inputs()
    print(jax.jit(kernel)(*tuple(_d.values())))

</pallas_src>

<mosaic_0001>
#map = affine_map<(d0, d1) -> (0, 0)>
#map1 = affine_map<(d0, d1) -> (0, 0, 0)>
module attributes {stable_mosaic.version = 14 : i64} {
  func.func @sc_kernel(%arg0: i32, %arg1: i32, %arg2: memref<10000x128xf32, #tpu.memory_space<hbm>>, %arg3: memref<2560x128xi32, #tpu.memory_space<hbm>>, %arg4: memref<10000x128xf32, #tpu.memory_space<hbm>>, %arg5: memref<2x10000x128xf32, #tpu.memory_space<hbm>>, %arg6: memref<80x128xi32, #tpu.memory_space<vmem>>, %arg7: memref<128xi32, #tpu.memory_space<vmem>>, %arg8: memref<128xi32, #tpu.memory_space<vmem>>, %arg9: memref<128xi32, #tpu.memory_space<vmem>>, %arg10: memref<128xi32, #tpu.memory_space<vmem>>, %arg11: memref<128x128xf32, #tpu.memory_space<vmem>>, %arg12: memref<128x128xf32, #tpu.memory_space<vmem>>, %arg13: memref<10008x128xf32, #tpu.memory_space<vmem_shared>>, %arg14: memref<!tpu.dma_semaphore, #tpu.memory_space<semaphore_mem>>, %arg15: memref<!tpu.dma_semaphore, #tpu.memory_space<semaphore_mem>>, %arg16: memref<!tpu.dma_semaphore, #tpu.memory_space<semaphore_mem>>, %arg17: memref<!tpu.dma_semaphore, #tpu.memory_space<semaphore_mem>>) attributes {dimension_semantics = [#tpu.dimension_semantics<core_parallel>, #tpu.dimension_semantics<subcore_parallel>], iteration_bounds = array<i64: 2, 16>, scalar_prefetch = 0 : i64, scratch_operands = 12 : i64, tpu.core_type = #tpu.core_type<sc_vector_subcore>, window_params = [{transform_indices = #map}, {transform_indices = #map}, {transform_indices = #map}, {transform_indices = #map1}]} {
    %mul3A = arith.constant 2 : i32
    %mul3A_0 = arith.muli %arg1, %mul3A : i32
    %add3A = arith.addi %mul3A_0, %arg0 : i32
    %mul3A_1 = arith.constant 624 : i32
    %mul3A_2 = arith.muli %arg1, %mul3A_1 : i32
    %dma_start3A = arith.constant 0 : i32
    %dma_start3A_3 = tpu.memref_slice %arg13[%mul3A_2, %dma_start3A] : memref<10008x128xf32, #tpu.memory_space<vmem_shared>> -> memref<624x128xf32, #tpu.memory_space<vmem_shared>>
    %dma_start3A_4 = arith.constant 0 : i32
    %dma_start3A_5 = tpu.memref_slice %arg4[%mul3A_2, %dma_start3A_4] : memref<10000x128xf32, #tpu.memory_space<hbm>> -> memref<624x128xf32, #tpu.memory_space<hbm>>
    tpu.enqueue_dma source(%dma_start3A_5 : memref<624x128xf32, #tpu.memory_space<hbm>>) target(%dma_start3A_3 : memref<624x128xf32, #tpu.memory_space<vmem_shared>>) target_semaphore(%arg16 : memref<!tpu.dma_semaphore, #tpu.memory_space<semaphore_mem>>)
    %eq3A = arith.constant 15 : i32
    %eq3A_6 = arith.cmpi eq, %arg1, %eq3A : i32
    %convert_element_type3A = arith.extui %eq3A_6 : i1 to i32
    %cond3A = arith.constant 0 : i32
    %cond3A_7 = arith.cmpi ne, %convert_element_type3A, %cond3A : i32
    scf.if %cond3A_7 {
      %dma_start3A_336 = arith.constant 9984 : i32
      %dma_start3A_337 = arith.constant 0 : i32
      %dma_start3A_338 = tpu.memref_slice %arg13[%dma_start3A_336, %dma_start3A_337] : memref<10008x128xf32, #tpu.memory_space<vmem_shared>> -> memref<16x128xf32, #tpu.memory_space<vmem_shared>>
      %dma_start3A_339 = arith.constant 9984 : i32
      %dma_start3A_340 = arith.constant 0 : i32
      %dma_start3A_341 = tpu.memref_slice %arg4[%dma_start3A_339, %dma_start3A_340] : memref<10000x128xf32, #tpu.memory_space<hbm>> -> memref<16x128xf32, #tpu.memory_space<hbm>>
      tpu.enqueue_dma source(%dma_start3A_341 : memref<16x128xf32, #tpu.memory_space<hbm>>) target(%dma_start3A_338 : memref<16x128xf32, #tpu.memory_space<vmem_shared>>) target_semaphore(%arg17 : memref<!tpu.dma_semaphore, #tpu.memory_space<semaphore_mem>>)
      %dma_wait3A_342 = arith.constant 9984 : i32
      %dma_wait3A_343 = arith.constant 0 : i32
      %dma_wait3A_344 = tpu.memref_slice %arg13[%dma_wait3A_342, %dma_wait3A_343] : memref<10008x128xf32, #tpu.memory_space<vmem_shared>> -> memref<16x128xf32, #tpu.memory_space<vmem_shared>>
      %dma_wait3A_345 = arith.constant 9984 : i32
      %dma_wait3A_346 = arith.constant 0 : i32
      %dma_wait3A_347 = tpu.memref_slice %arg4[%dma_wait3A_345, %dma_wait3A_346] : memref<10000x128xf32, #tpu.memory_space<hbm>> -> memref<16x128xf32, #tpu.memory_space<hbm>>
      tpu.wait_dma2 semaphore(%arg17 : memref<!tpu.dma_semaphore, #tpu.memory_space<semaphore_mem>>) src(%dma_wait3A_347 : memref<16x128xf32, #tpu.memory_space<hbm>>) dst(%dma_wait3A_344 : memref<16x128xf32, #tpu.memory_space<vmem_shared>>)
    } else {
    }
    %mul3A_8 = arith.constant 80 : i32
    %mul3A_9 = arith.muli %add3A, %mul3A_8 : i32
    "tpu.region"() ({
      %run_scoped3A = tpu.sem_alloc : memref<!tpu.dma_semaphore, #tpu.memory_space<semaphore_mem>>
      %dma_start3A_336 = arith.constant 0 : i32
      %dma_start3A_337 = tpu.memref_slice %arg3[%mul3A_9, %dma_start3A_336] : memref<2560x128xi32, #tpu.memory_space<hbm>> -> memref<80x128xi32, #tpu.memory_space<hbm>>
      %dma_start3A_338 = arith.constant 0 : i32
      %dma_start3A_339 = tpu.memref_slice %arg3[%mul3A_9, %dma_start3A_338] : memref<2560x128xi32, #tpu.memory_space<hbm>> -> memref<80x128xi32, #tpu.memory_space<hbm>>
      tpu.enqueue_dma source(%dma_start3A_339 : memref<80x128xi32, #tpu.memory_space<hbm>>) target(%arg6 : memref<80x128xi32, #tpu.memory_space<vmem>>) target_semaphore(%run_scoped3A : memref<!tpu.dma_semaphore, #tpu.memory_space<semaphore_mem>>)
      %dma_wait3A_340 = arith.constant 0 : i32
      %dma_wait3A_341 = tpu.memref_slice %arg3[%mul3A_9, %dma_wait3A_340] : memref<2560x128xi32, #tpu.memory_space<hbm>> -> memref<80x128xi32, #tpu.memory_space<hbm>>
      %dma_wait3A_342 = arith.constant 0 : i32
      %dma_wait3A_343 = tpu.memref_slice %arg3[%mul3A_9, %dma_wait3A_342] : memref<2560x128xi32, #tpu.memory_space<hbm>> -> memref<80x128xi32, #tpu.memory_space<hbm>>
      tpu.wait_dma2 semaphore(%run_scoped3A : memref<!tpu.dma_semaphore, #tpu.memory_space<semaphore_mem>>) src(%dma_wait3A_343 : memref<80x128xi32, #tpu.memory_space<hbm>>) dst(%arg6 : memref<80x128xi32, #tpu.memory_space<vmem>>)
      tpu.yield
    }) : () -> ()
    %get3A = arith.constant 0 : i32
    %get3A_10 = arith.index_cast %get3A : i32 to index
    %get3A_11 = arith.constant 0 : index
    %get3A_12 = tpu.vector_load %arg6[%get3A_10, %get3A_11] {strides = array<i32>} : memref<80x128xi32, #tpu.memory_space<vmem>>, vector<1x16xi32>,
    %get3A_13 = vector.shape_cast %get3A_12 : vector<1x16xi32> to vector<16xi32>
    %and3A = arith.constant 65535 : i32
    %and3A_14 = vector.broadcast %and3A : i32 to vector<16xi32>
    %and3A_15 = arith.andi %get3A_13, %and3A_14 : vector<16xi32>
    %swap3A = arith.constant 0 : index
    %swap3A_16 = tpu.vector_load %arg7[%swap3A] {strides = array<i32>} : memref<128xi32, #tpu.memory_space<vmem>>, vector<16xi32>,
    %swap3A_17 = vector.shape_cast %swap3A_16 : vector<16xi32> to vector<16xi32>
    %swap3A_18 = vector.shape_cast %and3A_15 : vector<16xi32> to vector<16xi32>
    tpu.vector_store %arg7[%swap3A], %swap3A_18 {strides = array<i32>} : memref<128xi32, #tpu.memory_space<vmem>>, vector<16xi32>,
    %shift_right_arithmetic3A = arith.constant 16 : i32
    %shift_right_arithmetic3A_19 = vector.broadcast %shift_right_arithmetic3A : i32 to vector<16xi32>
    %shift_right_arithmetic3A_20 = arith.shrsi %get3A_13, %shift_right_arithmetic3A_19 : vector<16xi32>
    %swap3A_21 = arith.constant 0 : index
    %swap3A_22 = tpu.vector_load %arg8[%swap3A_21] {strides = array<i32>} : memref<128xi32, #tpu.memory_space<vmem>>, vector<16xi32>,
    %swap3A_23 = vector.shape_cast %swap3A_22 : vector<16xi32> to vector<16xi32>
    %swap3A_24 = vector.shape_cast %shift_right_arithmetic3A_20 : vector<16xi32> to vector<16xi32>
    tpu.vector_store %arg8[%swap3A_21], %swap3A_24 {strides = array<i32>} : memref<128xi32, #tpu.memory_space<vmem>>, vector<16xi32>,
    %get3A_25 = arith.constant 0 : i32
    %get3A_26 = arith.index_cast %get3A_25 : i32 to index
    %get3A_27 = arith.constant 16 : index
    %get3A_28 = tpu.vector_load %arg6[%get3A_26, %get3A_27] {strides = array<i32>} : memref<80x128xi32, #tpu.memory_space<vmem>>, vector<1x16xi32>,
    %get3A_29 = vector.shape_cast %get3A_28 : vector<1x16xi32> to vector<16xi32>
    %and3A_30 = arith.constant 65535 : i32
    %and3A_31 = vector.broadcast %and3A_30 : i32 to vector<16xi32>
    %and3A_32 = arith.andi %get3A_29, %and3A_31 : vector<16xi32>
    %swap3A_33 = arith.constant 16 : index
    %swap3A_34 = tpu.vector_load %arg7[%swap3A_33] {strides = array<i32>} : memref<128xi32, #tpu.memory_space<vmem>>, vector<16xi32>,
    %swap3A_35 = vector.shape_cast %swap3A_34 : vector<16xi32> to vector<16xi32>
    %swap3A_36 = vector.shape_cast %and3A_32 : vector<16xi32> to vector<16xi32>
    tpu.vector_store %arg7[%swap3A_33], %swap3A_36 {strides = array<i32>} : memref<128xi32, #tpu.memory_space<vmem>>, vector<16xi32>,
    %shift_right_arithmetic3A_37 = arith.constant 16 : i32
    %shift_right_arithmetic3A_38 = vector.broadcast %shift_right_arithmetic3A_37 : i32 to vector<16xi32>
    %shift_right_arithmetic3A_39 = arith.shrsi %get3A_29, %shift_right_arithmetic3A_38 : vector<16xi32>
    %swap3A_40 = arith.constant 16 : index
    %swap3A_41 = tpu.vector_load %arg8[%swap3A_40] {strides = array<i32>} : memref<128xi32, #tpu.memory_space<vmem>>, vector<16xi32>,
    %swap3A_42 = vector.shape_cast %swap3A_41 : vector<16xi32> to vector<16xi32>
    %swap3A_43 = vector.shape_cast %shift_right_arithmetic3A_39 : vector<16xi32> to vector<16xi32>
    tpu.vector_store %arg8[%swap3A_40], %swap3A_43 {strides = array<i32>} : memref<128xi32, #tpu.memory_space<vmem>>, vector<16xi32>,
    %get3A_44 = arith.constant 0 : i32
    %get3A_45 = arith.index_cast %get3A_44 : i32 to index
    %get3A_46 = arith.constant 32 : index
    %get3A_47 = tpu.vector_load %arg6[%get3A_45, %get3A_46] {strides = array<i32>} : memref<80x128xi32, #tpu.memory_space<vmem>>, vector<1x16xi32>,
    %get3A_48 = vector.shape_cast %get3A_47 : vector<1x16xi32> to vector<16xi32>
    %and3A_49 = arith.constant 65535 : i32
    %and3A_50 = vector.broadcast %and3A_49 : i32 to vector<16xi32>
    %and3A_51 = arith.andi %get3A_48, %and3A_50 : vector<16xi32>
    %swap3A_52 = arith.constant 32 : index
    %swap3A_53 = tpu.vector_load %arg7[%swap3A_52] {strides = array<i32>} : memref<128xi32, #tpu.memory_space<vmem>>, vector<16xi32>,
    %swap3A_54 = vector.shape_cast %swap3A_53 : vector<16xi32> to vector<16xi32>
    %swap3A_55 = vector.shape_cast %and3A_51 : vector<16xi32> to vector<16xi32>
    tpu.vector_store %arg7[%swap3A_52], %swap3A_55 {strides = array<i32>} : memref<128xi32, #tpu.memory_space<vmem>>, vector<16xi32>,
    %shift_right_arithmetic3A_56 = arith.constant 16 : i32
    %shift_right_arithmetic3A_57 = vector.broadcast %shift_right_arithmetic3A_56 : i32 to vector<16xi32>
    %shift_right_arithmetic3A_58 = arith.shrsi %get3A_48, %shift_right_arithmetic3A_57 : vector<16xi32>
    %swap3A_59 = arith.constant 32 : index
    %swap3A_60 = tpu.vector_load %arg8[%swap3A_59] {strides = array<i32>} : memref<128xi32, #tpu.memory_space<vmem>>, vector<16xi32>,
    %swap3A_61 = vector.shape_cast %swap3A_60 : vector<16xi32> to vector<16xi32>
    %swap3A_62 = vector.shape_cast %shift_right_arithmetic3A_58 : vector<16xi32> to vector<16xi32>
    tpu.vector_store %arg8[%swap3A_59], %swap3A_62 {strides = array<i32>} : memref<128xi32, #tpu.memory_space<vmem>>, vector<16xi32>,
    %get3A_63 = arith.constant 0 : i32
    %get3A_64 = arith.index_cast %get3A_63 : i32 to index
    %get3A_65 = arith.constant 48 : index
    %get3A_66 = tpu.vector_load %arg6[%get3A_64, %get3A_65] {strides = array<i32>} : memref<80x128xi32, #tpu.memory_space<vmem>>, vector<1x16xi32>,
    %get3A_67 = vector.shape_cast %get3A_66 : vector<1x16xi32> to vector<16xi32>
    %and3A_68 = arith.constant 65535 : i32
    %and3A_69 = vector.broadcast %and3A_68 : i32 to vector<16xi32>
    %and3A_70 = arith.andi %get3A_67, %and3A_69 : vector<16xi32>
    %swap3A_71 = arith.constant 48 : index
    %swap3A_72 = tpu.vector_load %arg7[%swap3A_71] {strides = array<i32>} : memref<128xi32, #tpu.memory_space<vmem>>, vector<16xi32>,
    %swap3A_73 = vector.shape_cast %swap3A_72 : vector<16xi32> to vector<16xi32>
    %swap3A_74 = vector.shape_cast %and3A_70 : vector<16xi32> to vector<16xi32>
    tpu.vector_store %arg7[%swap3A_71], %swap3A_74 {strides = array<i32>} : memref<128xi32, #tpu.memory_space<vmem>>, vector<16xi32>,
    %shift_right_arithmetic3A_75 = arith.constant 16 : i32
    %shift_right_arithmetic3A_76 = vector.broadcast %shift_right_arithmetic3A_75 : i32 to vector<16xi32>
    %shift_right_arithmetic3A_77 = arith.shrsi %get3A_67, %shift_right_arithmetic3A_76 : vector<16xi32>
    %swap3A_78 = arith.constant 48 : index
    %swap3A_79 = tpu.vector_load %arg8[%swap3A_78] {strides = array<i32>} : memref<128xi32, #tpu.memory_space<vmem>>, vector<16xi32>,
    %swap3A_80 = vector.shape_cast %swap3A_79 : vector<16xi32> to vector<16xi32>
    %swap3A_81 = vector.shape_cast %shift_right_arithmetic3A_77 : vector<16xi32> to vector<16xi32>
    tpu.vector_store %arg8[%swap3A_78], %swap3A_81 {strides = array<i32>} : memref<128xi32, #tpu.memory_space<vmem>>, vector<16xi32>,
    %get3A_82 = arith.constant 0 : i32
    %get3A_83 = arith.index_cast %get3A_82 : i32 to index
    %get3A_84 = arith.constant 64 : index
    %get3A_85 = tpu.vector_load %arg6[%get3A_83, %get3A_84] {strides = array<i32>} : memref<80x128xi32, #tpu.memory_space<vmem>>, vector<1x16xi32>,
    %get3A_86 = vector.shape_cast %get3A_85 : vector<1x16xi32> to vector<16xi32>
    %and3A_87 = arith.constant 65535 : i32
    %and3A_88 = vector.broadcast %and3A_87 : i32 to vector<16xi32>
    %and3A_89 = arith.andi %get3A_86, %and3A_88 : vector<16xi32>
    %swap3A_90 = arith.constant 64 : index
    %swap3A_91 = tpu.vector_load %arg7[%swap3A_90] {strides = array<i32>} : memref<128xi32, #tpu.memory_space<vmem>>, vector<16xi32>,
    %swap3A_92 = vector.shape_cast %swap3A_91 : vector<16xi32> to vector<16xi32>
    %swap3A_93 = vector.shape_cast %and3A_89 : vector<16xi32> to vector<16xi32>
    tpu.vector_store %arg7[%swap3A_90], %swap3A_93 {strides = array<i32>} : memref<128xi32, #tpu.memory_space<vmem>>, vector<16xi32>,
    %shift_right_arithmetic3A_94 = arith.constant 16 : i32
    %shift_right_arithmetic3A_95 = vector.broadcast %shift_right_arithmetic3A_94 : i32 to vector<16xi32>
    %shift_right_arithmetic3A_96 = arith.shrsi %get3A_86, %shift_right_arithmetic3A_95 : vector<16xi32>
    %swap3A_97 = arith.constant 64 : index
    %swap3A_98 = tpu.vector_load %arg8[%swap3A_97] {strides = array<i32>} : memref<128xi32, #tpu.memory_space<vmem>>, vector<16xi32>,
    %swap3A_99 = vector.shape_cast %swap3A_98 : vector<16xi32> to vector<16xi32>
    %swap3A_100 = vector.shape_cast %shift_right_arithmetic3A_96 : vector<16xi32> to vector<16xi32>
    tpu.vector_store %arg8[%swap3A_97], %swap3A_100 {strides = array<i32>} : memref<128xi32, #tpu.memory_space<vmem>>, vector<16xi32>,
    %get3A_101 = arith.constant 0 : i32
    %get3A_102 = arith.index_cast %get3A_101 : i32 to index
    %get3A_103 = arith.constant 80 : index
    %get3A_104 = tpu.vector_load %arg6[%get3A_102, %get3A_103] {strides = array<i32>} : memref<80x128xi32, #tpu.memory_space<vmem>>, vector<1x16xi32>,
    %get3A_105 = vector.shape_cast %get3A_104 : vector<1x16xi32> to vector<16xi32>
    %and3A_106 = arith.constant 65535 : i32
    %and3A_107 = vector.broadcast %and3A_106 : i32 to vector<16xi32>
    %and3A_108 = arith.andi %get3A_105, %and3A_107 : vector<16xi32>
    %swap3A_109 = arith.constant 80 : index
    %swap3A_110 = tpu.vector_load %arg7[%swap3A_109] {strides = array<i32>} : memref<128xi32, #tpu.memory_space<vmem>>, vector<16xi32>,
    %swap3A_111 = vector.shape_cast %swap3A_110 : vector<16xi32> to vector<16xi32>
    %swap3A_112 = vector.shape_cast %and3A_108 : vector<16xi32> to vector<16xi32>
    tpu.vector_store %arg7[%swap3A_109], %swap3A_112 {strides = array<i32>} : memref<128xi32, #tpu.memory_space<vmem>>, vector<16xi32>,
    %shift_right_arithmetic3A_113 = arith.constant 16 : i32
    %shift_right_arithmetic3A_114 = vector.broadcast %shift_right_arithmetic3A_113 : i32 to vector<16xi32>
    %shift_right_arithmetic3A_115 = arith.shrsi %get3A_105, %shift_right_arithmetic3A_114 : vector<16xi32>
    %swap3A_116 = arith.constant 80 : index
    %swap3A_117 = tpu.vector_load %arg8[%swap3A_116] {strides = array<i32>} : memref<128xi32, #tpu.memory_space<vmem>>, vector<16xi32>,
    %swap3A_118 = vector.shape_cast %swap3A_117 : vector<16xi32> to vector<16xi32>
    %swap3A_119 = vector.shape_cast %shift_right_arithmetic3A_115 : vector<16xi32> to vector<16xi32>
    tpu.vector_store %arg8[%swap3A_116], %swap3A_119 {strides = array<i32>} : memref<128xi32, #tpu.memory_space<vmem>>, vector<16xi32>,
    %get3A_120 = arith.constant 0 : i32
    %get3A_121 = arith.index_cast %get3A_120 : i32 to index
    %get3A_122 = arith.constant 96 : index
    %get3A_123 = tpu.vector_load %arg6[%get3A_121, %get3A_122] {strides = array<i32>} : memref<80x128xi32, #tpu.memory_space<vmem>>, vector<1x16xi32>,
    %get3A_124 = vector.shape_cast %get3A_123 : vector<1x16xi32> to vector<16xi32>
    %and3A_125 = arith.constant 65535 : i32
    %and3A_126 = vector.broadcast %and3A_125 : i32 to vector<16xi32>
    %and3A_127 = arith.andi %get3A_124, %and3A_126 : vector<16xi32>
    %swap3A_128 = arith.constant 96 : index
    %swap3A_129 = tpu.vector_load %arg7[%swap3A_128] {strides = array<i32>} : memref<128xi32, #tpu.memory_space<vmem>>, vector<16xi32>,
    %swap3A_130 = vector.shape_cast %swap3A_129 : vector<16xi32> to vector<16xi32>
    %swap3A_131 = vector.shape_cast %and3A_127 : vector<16xi32> to vector<16xi32>
    tpu.vector_store %arg7[%swap3A_128], %swap3A_131 {strides = array<i32>} : memref<128xi32, #tpu.memory_space<vmem>>, vector<16xi32>,
    %shift_right_arithmetic3A_132 = arith.constant 16 : i32
    %shift_right_arithmetic3A_133 = vector.broadcast %shift_right_arithmetic3A_132 : i32 to vector<16xi32>
    %shift_right_arithmetic3A_134 = arith.shrsi %get3A_124, %shift_right_arithmetic3A_133 : vector<16xi32>
    %swap3A_135 = arith.constant 96 : index
    %swap3A_136 = tpu.vector_load %arg8[%swap3A_135] {strides = array<i32>} : memref<128xi32, #tpu.memory_space<vmem>>, vector<16xi32>,
    %swap3A_137 = vector.shape_cast %swap3A_136 : vector<16xi32> to vector<16xi32>
    %swap3A_138 = vector.shape_cast %shift_right_arithmetic3A_134 : vector<16xi32> to vector<16xi32>
    tpu.vector_store %arg8[%swap3A_135], %swap3A_138 {strides = array<i32>} : memref<128xi32, #tpu.memory_space<vmem>>, vector<16xi32>,
    %get3A_139 = arith.constant 0 : i32
    %get3A_140 = arith.index_cast %get3A_139 : i32 to index
    %get3A_141 = arith.constant 112 : index
    %get3A_142 = tpu.vector_load %arg6[%get3A_140, %get3A_141] {strides = array<i32>} : memref<80x128xi32, #tpu.memory_space<vmem>>, vector<1x16xi32>,
    %get3A_143 = vector.shape_cast %get3A_142 : vector<1x16xi32> to vector<16xi32>
    %and3A_144 = arith.constant 65535 : i32
    %and3A_145 = vector.broadcast %and3A_144 : i32 to vector<16xi32>
    %and3A_146 = arith.andi %get3A_143, %and3A_145 : vector<16xi32>
    %swap3A_147 = arith.constant 112 : index
    %swap3A_148 = tpu.vector_load %arg7[%swap3A_147] {strides = array<i32>} : memref<128xi32, #tpu.memory_space<vmem>>, vector<16xi32>,
    %swap3A_149 = vector.shape_cast %swap3A_148 : vector<16xi32> to vector<16xi32>
    %swap3A_150 = vector.shape_cast %and3A_146 : vector<16xi32> to vector<16xi32>
    tpu.vector_store %arg7[%swap3A_147], %swap3A_150 {strides = array<i32>} : memref<128xi32, #tpu.memory_space<vmem>>, vector<16xi32>,
    %shift_right_arithmetic3A_151 = arith.constant 16 : i32
    %shift_right_arithmetic3A_152 = vector.broadcast %shift_right_arithmetic3A_151 : i32 to vector<16xi32>
    %shift_right_arithmetic3A_153 = arith.shrsi %get3A_143, %shift_right_arithmetic3A_152 : vector<16xi32>
    %swap3A_154 = arith.constant 112 : index
    %swap3A_155 = tpu.vector_load %arg8[%swap3A_154] {strides = array<i32>} : memref<128xi32, #tpu.memory_space<vmem>>, vector<16xi32>,
    %swap3A_156 = vector.shape_cast %swap3A_155 : vector<16xi32> to vector<16xi32>
    %swap3A_157 = vector.shape_cast %shift_right_arithmetic3A_153 : vector<16xi32> to vector<16xi32>
    tpu.vector_store %arg8[%swap3A_154], %swap3A_157 {strides = array<i32>} : memref<128xi32, #tpu.memory_space<vmem>>, vector<16xi32>,
    %get3A_158 = arith.constant 1 : i32
    %get3A_159 = arith.index_cast %get3A_158 : i32 to index
    %get3A_160 = arith.constant 0 : index
    %get3A_161 = tpu.vector_load %arg6[%get3A_159, %get3A_160] {strides = array<i32>} : memref<80x128xi32, #tpu.memory_space<vmem>>, vector<1x16xi32>,
    %get3A_162 = vector.shape_cast %get3A_161 : vector<1x16xi32> to vector<16xi32>
    %and3A_163 = arith.constant 65535 : i32
    %and3A_164 = vector.broadcast %and3A_163 : i32 to vector<16xi32>
    %and3A_165 = arith.andi %get3A_162, %and3A_164 : vector<16xi32>
    %swap3A_166 = arith.constant 0 : index
    %swap3A_167 = tpu.vector_load %arg9[%swap3A_166] {strides = array<i32>} : memref<128xi32, #tpu.memory_space<vmem>>, vector<16xi32>,
    %swap3A_168 = vector.shape_cast %swap3A_167 : vector<16xi32> to vector<16xi32>
    %swap3A_169 = vector.shape_cast %and3A_165 : vector<16xi32> to vector<16xi32>
    tpu.vector_store %arg9[%swap3A_166], %swap3A_169 {strides = array<i32>} : memref<128xi32, #tpu.memory_space<vmem>>, vector<16xi32>,
    %shift_right_arithmetic3A_170 = arith.constant 16 : i32
    %shift_right_arithmetic3A_171 = vector.broadcast %shift_right_arithmetic3A_170 : i32 to vector<16xi32>
    %shift_right_arithmetic3A_172 = arith.shrsi %get3A_162, %shift_right_arithmetic3A_171 : vector<16xi32>
    %swap3A_173 = arith.constant 0 : index
    %swap3A_174 = tpu.vector_load %arg10[%swap3A_173] {strides = array<i32>} : memref<128xi32, #tpu.memory_space<vmem>>, vector<16xi32>,
    %swap3A_175 = vector.shape_cast %swap3A_174 : vector<16xi32> to vector<16xi32>
    %swap3A_176 = vector.shape_cast %shift_right_arithmetic3A_172 : vector<16xi32> to vector<16xi32>
    tpu.vector_store %arg10[%swap3A_173], %swap3A_176 {strides = array<i32>} : memref<128xi32, #tpu.memory_space<vmem>>, vector<16xi32>,
    %get3A_177 = arith.constant 1 : i32
    %get3A_178 = arith.index_cast %get3A_177 : i32 to index
    %get3A_179 = arith.constant 16 : index
    %get3A_180 = tpu.vector_load %arg6[%get3A_178, %get3A_179] {strides = array<i32>} : memref<80x128xi32, #tpu.memory_space<vmem>>, vector<1x16xi32>,
    %get3A_181 = vector.shape_cast %get3A_180 : vector<1x16xi32> to vector<16xi32>
    %and3A_182 = arith.constant 65535 : i32
    %and3A_183 = vector.broadcast %and3A_182 : i32 to vector<16xi32>
    %and3A_184 = arith.andi %get3A_181, %and3A_183 : vector<16xi32>
    %swap3A_185 = arith.constant 16 : index
    %swap3A_186 = tpu.vector_load %arg9[%swap3A_185] {strides = array<i32>} : memref<128xi32, #tpu.memory_space<vmem>>, vector<16xi32>,
    %swap3A_187 = vector.shape_cast %swap3A_186 : vector<16xi32> to vector<16xi32>
    %swap3A_188 = vector.shape_cast %and3A_184 : vector<16xi32> to vector<16xi32>
    tpu.vector_store %arg9[%swap3A_185], %swap3A_188 {strides = array<i32>} : memref<128xi32, #tpu.memory_space<vmem>>, vector<16xi32>,
    %shift_right_arithmetic3A_189 = arith.constant 16 : i32
    %shift_right_arithmetic3A_190 = vector.broadcast %shift_right_arithmetic3A_189 : i32 to vector<16xi32>
    %shift_right_arithmetic3A_191 = arith.shrsi %get3A_181, %shift_right_arithmetic3A_190 : vector<16xi32>
    %swap3A_192 = arith.constant 16 : index
    %swap3A_193 = tpu.vector_load %arg10[%swap3A_192] {strides = array<i32>} : memref<128xi32, #tpu.memory_space<vmem>>, vector<16xi32>,
    %swap3A_194 = vector.shape_cast %swap3A_193 : vector<16xi32> to vector<16xi32>
    %swap3A_195 = vector.shape_cast %shift_right_arithmetic3A_191 : vector<16xi32> to vector<16xi32>
    tpu.vector_store %arg10[%swap3A_192], %swap3A_195 {strides = array<i32>} : memref<128xi32, #tpu.memory_space<vmem>>, vector<16xi32>,
    %get3A_196 = arith.constant 1 : i32
    %get3A_197 = arith.index_cast %get3A_196 : i32 to index
    %get3A_198 = arith.constant 32 : index
    %get3A_199 = tpu.vector_load %arg6[%get3A_197, %get3A_198] {strides = array<i32>} : memref<80x128xi32, #tpu.memory_space<vmem>>, vector<1x16xi32>,
    %get3A_200 = vector.shape_cast %get3A_199 : vector<1x16xi32> to vector<16xi32>
    %and3A_201 = arith.constant 65535 : i32
    %and3A_202 = vector.broadcast %and3A_201 : i32 to vector<16xi32>
    %and3A_203 = arith.andi %get3A_200, %and3A_202 : vector<16xi32>
    %swap3A_204 = arith.constant 32 : index
    %swap3A_205 = tpu.vector_load %arg9[%swap3A_204] {strides = array<i32>} : memref<128xi32, #tpu.memory_space<vmem>>, vector<16xi32>,
    %swap3A_206 = vector.shape_cast %swap3A_205 : vector<16xi32> to vector<16xi32>
    %swap3A_207 = vector.shape_cast %and3A_203 : vector<16xi32> to vector<16xi32>
    tpu.vector_store %arg9[%swap3A_204], %swap3A_207 {strides = array<i32>} : memref<128xi32, #tpu.memory_space<vmem>>, vector<16xi32>,
    %shift_right_arithmetic3A_208 = arith.constant 16 : i32
    %shift_right_arithmetic3A_209 = vector.broadcast %shift_right_arithmetic3A_208 : i32 to vector<16xi32>
    %shift_right_arithmetic3A_210 = arith.shrsi %get3A_200, %shift_right_arithmetic3A_209 : vector<16xi32>
    %swap3A_211 = arith.constant 32 : index
    %swap3A_212 = tpu.vector_load %arg10[%swap3A_211] {strides = array<i32>} : memref<128xi32, #tpu.memory_space<vmem>>, vector<16xi32>,
    %swap3A_213 = vector.shape_cast %swap3A_212 : vector<16xi32> to vector<16xi32>
    %swap3A_214 = vector.shape_cast %shift_right_arithmetic3A_210 : vector<16xi32> to vector<16xi32>
    tpu.vector_store %arg10[%swap3A_211], %swap3A_214 {strides = array<i32>} : memref<128xi32, #tpu.memory_space<vmem>>, vector<16xi32>,
    %get3A_215 = arith.constant 1 : i32
    %get3A_216 = arith.index_cast %get3A_215 : i32 to index
    %get3A_217 = arith.constant 48 : index
    %get3A_218 = tpu.vector_load %arg6[%get3A_216, %get3A_217] {strides = array<i32>} : memref<80x128xi32, #tpu.memory_space<vmem>>, vector<1x16xi32>,
    %get3A_219 = vector.shape_cast %get3A_218 : vector<1x16xi32> to vector<16xi32>
    %and3A_220 = arith.constant 65535 : i32
    %and3A_221 = vector.broadcast %and3A_220 : i32 to vector<16xi32>
    %and3A_222 = arith.andi %get3A_219, %and3A_221 : vector<16xi32>
    %swap3A_223 = arith.constant 48 : index
    %swap3A_224 = tpu.vector_load %arg9[%swap3A_223] {strides = array<i32>} : memref<128xi32, #tpu.memory_space<vmem>>, vector<16xi32>,
    %swap3A_225 = vector.shape_cast %swap3A_224 : vector<16xi32> to vector<16xi32>
    %swap3A_226 = vector.shape_cast %and3A_222 : vector<16xi32> to vector<16xi32>
    tpu.vector_store %arg9[%swap3A_223], %swap3A_226 {strides = array<i32>} : memref<128xi32, #tpu.memory_space<vmem>>, vector<16xi32>,
    %shift_right_arithmetic3A_227 = arith.constant 16 : i32
    %shift_right_arithmetic3A_228 = vector.broadcast %shift_right_arithmetic3A_227 : i32 to vector<16xi32>
    %shift_right_arithmetic3A_229 = arith.shrsi %get3A_219, %shift_right_arithmetic3A_228 : vector<16xi32>
    %swap3A_230 = arith.constant 48 : index
    %swap3A_231 = tpu.vector_load %arg10[%swap3A_230] {strides = array<i32>} : memref<128xi32, #tpu.memory_space<vmem>>, vector<16xi32>,
    %swap3A_232 = vector.shape_cast %swap3A_231 : vector<16xi32> to vector<16xi32>
    %swap3A_233 = vector.shape_cast %shift_right_arithmetic3A_229 : vector<16xi32> to vector<16xi32>
    tpu.vector_store %arg10[%swap3A_230], %swap3A_233 {strides = array<i32>} : memref<128xi32, #tpu.memory_space<vmem>>, vector<16xi32>,
    %get3A_234 = arith.constant 1 : i32
    %get3A_235 = arith.index_cast %get3A_234 : i32 to index
    %get3A_236 = arith.constant 64 : index
    %get3A_237 = tpu.vector_load %arg6[%get3A_235, %get3A_236] {strides = array<i32>} : memref<80x128xi32, #tpu.memory_space<vmem>>, vector<1x16xi32>,
    %get3A_238 = vector.shape_cast %get3A_237 : vector<1x16xi32> to vector<16xi32>
    %and3A_239 = arith.constant 65535 : i32
    %and3A_240 = vector.broadcast %and3A_239 : i32 to vector<16xi32>
    %and3A_241 = arith.andi %get3A_238, %and3A_240 : vector<16xi32>
    %swap3A_242 = arith.constant 64 : index
    %swap3A_243 = tpu.vector_load %arg9[%swap3A_242] {strides = array<i32>} : memref<128xi32, #tpu.memory_space<vmem>>, vector<16xi32>,
    %swap3A_244 = vector.shape_cast %swap3A_243 : vector<16xi32> to vector<16xi32>
    %swap3A_245 = vector.shape_cast %and3A_241 : vector<16xi32> to vector<16xi32>
    tpu.vector_store %arg9[%swap3A_242], %swap3A_245 {strides = array<i32>} : memref<128xi32, #tpu.memory_space<vmem>>, vector<16xi32>,
    %shift_right_arithmetic3A_246 = arith.constant 16 : i32
    %shift_right_arithmetic3A_247 = vector.broadcast %shift_right_arithmetic3A_246 : i32 to vector<16xi32>
    %shift_right_arithmetic3A_248 = arith.shrsi %get3A_238, %shift_right_arithmetic3A_247 : vector<16xi32>
    %swap3A_249 = arith.constant 64 : index
    %swap3A_250 = tpu.vector_load %arg10[%swap3A_249] {strides = array<i32>} : memref<128xi32, #tpu.memory_space<vmem>>, vector<16xi32>,
    %swap3A_251 = vector.shape_cast %swap3A_250 : vector<16xi32> to vector<16xi32>
    %swap3A_252 = vector.shape_cast %shift_right_arithmetic3A_248 : vector<16xi32> to vector<16xi32>
    tpu.vector_store %arg10[%swap3A_249], %swap3A_252 {strides = array<i32>} : memref<128xi32, #tpu.memory_space<vmem>>, vector<16xi32>,
    %get3A_253 = arith.constant 1 : i32
    %get3A_254 = arith.index_cast %get3A_253 : i32 to index
    %get3A_255 = arith.constant 80 : index
    %get3A_256 = tpu.vector_load %arg6[%get3A_254, %get3A_255] {strides = array<i32>} : memref<80x128xi32, #tpu.memory_space<vmem>>, vector<1x16xi32>,
    %get3A_257 = vector.shape_cast %get3A_256 : vector<1x16xi32> to vector<16xi32>
    %and3A_258 = arith.constant 65535 : i32
    %and3A_259 = vector.broadcast %and3A_258 : i32 to vector<16xi32>
    %and3A_260 = arith.andi %get3A_257, %and3A_259 : vector<16xi32>
    %swap3A_261 = arith.constant 80 : index
    %swap3A_262 = tpu.vector_load %arg9[%swap3A_261] {strides = array<i32>} : memref<128xi32, #tpu.memory_space<vmem>>, vector<16xi32>,
    %swap3A_263 = vector.shape_cast %swap3A_262 : vector<16xi32> to vector<16xi32>
    %swap3A_264 = vector.shape_cast %and3A_260 : vector<16xi32> to vector<16xi32>
    tpu.vector_store %arg9[%swap3A_261], %swap3A_264 {strides = array<i32>} : memref<128xi32, #tpu.memory_space<vmem>>, vector<16xi32>,
    %shift_right_arithmetic3A_265 = arith.constant 16 : i32
    %shift_right_arithmetic3A_266 = vector.broadcast %shift_right_arithmetic3A_265 : i32 to vector<16xi32>
    %shift_right_arithmetic3A_267 = arith.shrsi %get3A_257, %shift_right_arithmetic3A_266 : vector<16xi32>
    %swap3A_268 = arith.constant 80 : index
    %swap3A_269 = tpu.vector_load %arg10[%swap3A_268] {strides = array<i32>} : memref<128xi32, #tpu.memory_space<vmem>>, vector<16xi32>,
    %swap3A_270 = vector.shape_cast %swap3A_269 : vector<16xi32> to vector<16xi32>
    %swap3A_271 = vector.shape_cast %shift_right_arithmetic3A_267 : vector<16xi32> to vector<16xi32>
    tpu.vector_store %arg10[%swap3A_268], %swap3A_271 {strides = array<i32>} : memref<128xi32, #tpu.memory_space<vmem>>, vector<16xi32>,
    %get3A_272 = arith.constant 1 : i32
    %get3A_273 = arith.index_cast %get3A_272 : i32 to index
    %get3A_274 = arith.constant 96 : index
    %get3A_275 = tpu.vector_load %arg6[%get3A_273, %get3A_274] {strides = array<i32>} : memref<80x128xi32, #tpu.memory_space<vmem>>, vector<1x16xi32>,
    %get3A_276 = vector.shape_cast %get3A_275 : vector<1x16xi32> to vector<16xi32>
    %and3A_277 = arith.constant 65535 : i32
    %and3A_278 = vector.broadcast %and3A_277 : i32 to vector<16xi32>
    %and3A_279 = arith.andi %get3A_276, %and3A_278 : vector<16xi32>
    %swap3A_280 = arith.constant 96 : index
    %swap3A_281 = tpu.vector_load %arg9[%swap3A_280] {strides = array<i32>} : memref<128xi32, #tpu.memory_space<vmem>>, vector<16xi32>,
    %swap3A_282 = vector.shape_cast %swap3A_281 : vector<16xi32> to vector<16xi32>
    %swap3A_283 = vector.shape_cast %and3A_279 : vector<16xi32> to vector<16xi32>
    tpu.vector_store %arg9[%swap3A_280], %swap3A_283 {strides = array<i32>} : memref<128xi32, #tpu.memory_space<vmem>>, vector<16xi32>,
    %shift_right_arithmetic3A_284 = arith.constant 16 : i32
    %shift_right_arithmetic3A_285 = vector.broadcast %shift_right_arithmetic3A_284 : i32 to vector<16xi32>
    %shift_right_arithmetic3A_286 = arith.shrsi %get3A_276, %shift_right_arithmetic3A_285 : vector<16xi32>
    %swap3A_287 = arith.constant 96 : index
    %swap3A_288 = tpu.vector_load %arg10[%swap3A_287] {strides = array<i32>} : memref<128xi32, #tpu.memory_space<vmem>>, vector<16xi32>,
    %swap3A_289 = vector.shape_cast %swap3A_288 : vector<16xi32> to vector<16xi32>
    %swap3A_290 = vector.shape_cast %shift_right_arithmetic3A_286 : vector<16xi32> to vector<16xi32>
    tpu.vector_store %arg10[%swap3A_287], %swap3A_290 {strides = array<i32>} : memref<128xi32, #tpu.memory_space<vmem>>, vector<16xi32>,
    %get3A_291 = arith.constant 1 : i32
    %get3A_292 = arith.index_cast %get3A_291 : i32 to index
    %get3A_293 = arith.constant 112 : index
    %get3A_294 = tpu.vector_load %arg6[%get3A_292, %get3A_293] {strides = array<i32>} : memref<80x128xi32, #tpu.memory_space<vmem>>, vector<1x16xi32>,
    %get3A_295 = vector.shape_cast %get3A_294 : vector<1x16xi32> to vector<16xi32>
    %and3A_296 = arith.constant 65535 : i32
    %and3A_297 = vector.broadcast %and3A_296 : i32 to vector<16xi32>
    %and3A_298 = arith.andi %get3A_295, %and3A_297 : vector<16xi32>
    %swap3A_299 = arith.constant 112 : index
    %swap3A_300 = tpu.vector_load %arg9[%swap3A_299] {strides = array<i32>} : memref<128xi32, #tpu.memory_space<vmem>>, vector<16xi32>,
    %swap3A_301 = vector.shape_cast %swap3A_300 : vector<16xi32> to vector<16xi32>
    %swap3A_302 = vector.shape_cast %and3A_298 : vector<16xi32> to vector<16xi32>
    tpu.vector_store %arg9[%swap3A_299], %swap3A_302 {strides = array<i32>} : memref<128xi32, #tpu.memory_space<vmem>>, vector<16xi32>,
    %shift_right_arithmetic3A_303 = arith.constant 16 : i32
    %shift_right_arithmetic3A_304 = vector.broadcast %shift_right_arithmetic3A_303 : i32 to vector<16xi32>
    %shift_right_arithmetic3A_305 = arith.shrsi %get3A_295, %shift_right_arithmetic3A_304 : vector<16xi32>
    %swap3A_306 = arith.constant 112 : index
    %swap3A_307 = tpu.vector_load %arg10[%swap3A_306] {strides = array<i32>} : memref<128xi32, #tpu.memory_space<vmem>>, vector<16xi32>,
    %swap3A_308 = vector.shape_cast %swap3A_307 : vector<16xi32> to vector<16xi32>
    %swap3A_309 = vector.shape_cast %shift_right_arithmetic3A_305 : vector<16xi32> to vector<16xi32>
    tpu.vector_store %arg10[%swap3A_306], %swap3A_309 {strides = array<i32>} : memref<128xi32, #tpu.memory_space<vmem>>, vector<16xi32>,
    %dma_start3A_310 = arith.constant 0 : i32
    %dma_start3A_311 = arith.constant 0 : i32
    %dma_start3A_312 = tpu.memref_slice %arg2[%dma_start3A_310, %dma_start3A_311] : memref<10000x128xf32, #tpu.memory_space<hbm>> -> memref<10000x128xf32, #tpu.memory_space<hbm>>
    tpu.enqueue_indirect_dma source(%dma_start3A_312 : memref<10000x128xf32, #tpu.memory_space<hbm>>) target(%arg11 : memref<128x128xf32, #tpu.memory_space<vmem>>) offsets(%arg7 : memref<128xi32, #tpu.memory_space<vmem>>) semaphore(%arg14 : memref<!tpu.dma_semaphore, #tpu.memory_space<semaphore_mem>>)
    %dma_start3A_313 = arith.constant 0 : i32
    %dma_start3A_314 = arith.constant 0 : i32
    %dma_start3A_315 = tpu.memref_slice %arg2[%dma_start3A_313, %dma_start3A_314] : memref<10000x128xf32, #tpu.memory_space<hbm>> -> memref<10000x128xf32, #tpu.memory_space<hbm>>
    tpu.enqueue_indirect_dma source(%dma_start3A_315 : memref<10000x128xf32, #tpu.memory_space<hbm>>) target(%arg12 : memref<128x128xf32, #tpu.memory_space<vmem>>) offsets(%arg9 : memref<128xi32, #tpu.memory_space<vmem>>) semaphore(%arg15 : memref<!tpu.dma_semaphore, #tpu.memory_space<semaphore_mem>>)
    %dma_wait3A = arith.constant 0 : i32
    %dma_wait3A_316 = tpu.memref_slice %arg13[%mul3A_2, %dma_wait3A] : memref<10008x128xf32, #tpu.memory_space<vmem_shared>> -> memref<624x128xf32, #tpu.memory_space<vmem_shared>>
    %dma_wait3A_317 = arith.constant 0 : i32
    %dma_wait3A_318 = tpu.memref_slice %arg4[%mul3A_2, %dma_wait3A_317] : memref<10000x128xf32, #tpu.memory_space<hbm>> -> memref<624x128xf32, #tpu.memory_space<hbm>>
    tpu.wait_dma2 semaphore(%arg16 : memref<!tpu.dma_semaphore, #tpu.memory_space<semaphore_mem>>) src(%dma_wait3A_318 : memref<624x128xf32, #tpu.memory_space<hbm>>) dst(%dma_wait3A_316 : memref<624x128xf32, #tpu.memory_space<vmem_shared>>)
    %barrier3A = arith.constant 0 : index
    tpu.barrier barrier_id(%barrier3A)
    %scan3A = arith.constant 0 : i32
    %scan3A_319 = arith.constant 0 : i32
    %scan3A_320 = arith.constant 39 : i32
    %scan3A_321 = arith.addi %scan3A_319, %scan3A_320 : i32
    %scan3A_322 = arith.constant 1 : i32
    scf.for %scan3A_336 = %scan3A_319 to %scan3A_321 step %scan3A_322  : i32 {
      %mul3A_337 = arith.constant 2 : i32
      %mul3A_338 = arith.muli %mul3A_337, %scan3A_336 : i32
      %dma_wait3A_339 = arith.constant 0 : i32
      %dma_wait3A_340 = arith.constant 0 : i32
      %dma_wait3A_341 = tpu.memref_slice %arg2[%dma_wait3A_339, %dma_wait3A_340] : memref<10000x128xf32, #tpu.memory_space<hbm>> -> memref<10000x128xf32, #tpu.memory_space<hbm>>
      tpu.wait_indirect_dma semaphore(%arg14 : memref<!tpu.dma_semaphore, #tpu.memory_space<semaphore_mem>>) src(%dma_wait3A_341 : memref<10000x128xf32, #tpu.memory_space<hbm>>) dst(%arg11 : memref<128x128xf32, #tpu.memory_space<vmem>>)
      "tpu.region"() ({
        %run_scoped3A = tpu.sem_alloc : memref<!tpu.dma_semaphore, #tpu.memory_space<semaphore_mem>>
        %dma_start3A_643 = arith.constant 0 : i32
        %dma_start3A_644 = arith.constant 0 : i32
        %dma_start3A_645 = tpu.memref_slice %arg13[%dma_start3A_643, %dma_start3A_644] : memref<10008x128xf32, #tpu.memory_space<vmem_shared>> -> memref<10008x128xf32, #tpu.memory_space<vmem_shared>>
        tpu.enqueue_indirect_dma source(%arg11 : memref<128x128xf32, #tpu.memory_space<vmem>>) target(%dma_start3A_645 : memref<10008x128xf32, #tpu.memory_space<vmem_shared>>) offsets(%arg8 : memref<128xi32, #tpu.memory_space<vmem>>) semaphore(%run_scoped3A : memref<!tpu.dma_semaphore, #tpu.memory_space<semaphore_mem>>) {add = true}
        %dma_wait3A_646 = arith.constant 0 : i32
        %dma_wait3A_647 = arith.constant 0 : i32
        %dma_wait3A_648 = tpu.memref_slice %arg13[%dma_wait3A_646, %dma_wait3A_647] : memref<10008x128xf32, #tpu.memory_space<vmem_shared>> -> memref<10008x128xf32, #tpu.memory_space<vmem_shared>>
        tpu.wait_indirect_dma semaphore(%run_scoped3A : memref<!tpu.dma_semaphore, #tpu.memory_space<semaphore_mem>>) src(%arg11 : memref<128x128xf32, #tpu.memory_space<vmem>>) dst(%dma_wait3A_648 : memref<10008x128xf32, #tpu.memory_space<vmem_shared>>)
        tpu.yield
      }) : () -> ()
      %add3A_342 = arith.constant 2 : i32
      %add3A_343 = arith.addi %mul3A_338, %add3A_342 : i32
      %get3A_344 = arith.index_cast %add3A_343 : i32 to index
      %get3A_345 = arith.constant 0 : index
      %get3A_346 = tpu.vector_load %arg6[%get3A_344, %get3A_345] {strides = array<i32>} : memref<80x128xi32, #tpu.memory_space<vmem>>, vector<1x16xi32>,
      %get3A_347 = vector.shape_cast %get3A_346 : vector<1x16xi32> to vector<16xi32>
      %and3A_348 = arith.constant 65535 : i32
      %and3A_349 = vector.broadcast %and3A_348 : i32 to vector<16xi32>
      %and3A_350 = arith.andi %get3A_347, %and3A_349 : vector<16xi32>
      %swap3A_351 = arith.constant 0 : index
      %swap3A_352 = tpu.vector_load %arg7[%swap3A_351] {strides = array<i32>} : memref<128xi32, #tpu.memory_space<vmem>>, vector<16xi32>,
      %swap3A_353 = vector.shape_cast %swap3A_352 : vector<16xi32> to vector<16xi32>
      %swap3A_354 = vector.shape_cast %and3A_350 : vector<16xi32> to vector<16xi32>
      tpu.vector_store %arg7[%swap3A_351], %swap3A_354 {strides = array<i32>} : memref<128xi32, #tpu.memory_space<vmem>>, vector<16xi32>,
      %shift_right_arithmetic3A_355 = arith.constant 16 : i32
      %shift_right_arithmetic3A_356 = vector.broadcast %shift_right_arithmetic3A_355 : i32 to vector<16xi32>
      %shift_right_arithmetic3A_357 = arith.shrsi %get3A_347, %shift_right_arithmetic3A_356 : vector<16xi32>
      %swap3A_358 = arith.constant 0 : index
      %swap3A_359 = tpu.vector_load %arg8[%swap3A_358] {strides = array<i32>} : memref<128xi32, #tpu.memory_space<vmem>>, vector<16xi32>,
      %swap3A_360 = vector.shape_cast %swap3A_359 : vector<16xi32> to vector<16xi32>
      %swap3A_361 = vector.shape_cast %shift_right_arithmetic3A_357 : vector<16xi32> to vector<16xi32>
      tpu.vector_store %arg8[%swap3A_358], %swap3A_361 {strides = array<i32>} : memref<128xi32, #tpu.memory_space<vmem>>, vector<16xi32>,
      %get3A_362 = arith.index_cast %add3A_343 : i32 to index
      %get3A_363 = arith.constant 16 : index
      %get3A_364 = tpu.vector_load %arg6[%get3A_362, %get3A_363] {strides = array<i32>} : memref<80x128xi32, #tpu.memory_space<vmem>>, vector<1x16xi32>,
      %get3A_365 = vector.shape_cast %get3A_364 : vector<1x16xi32> to vector<16xi32>
      %and3A_366 = arith.constant 65535 : i32
      %and3A_367 = vector.broadcast %and3A_366 : i32 to vector<16xi32>
      %and3A_368 = arith.andi %get3A_365, %and3A_367 : vector<16xi32>
      %swap3A_369 = arith.constant 16 : index
      %swap3A_370 = tpu.vector_load %arg7[%swap3A_369] {strides = array<i32>} : memref<128xi32, #tpu.memory_space<vmem>>, vector<16xi32>,
      %swap3A_371 = vector.shape_cast %swap3A_370 : vector<16xi32> to vector<16xi32>
      %swap3A_372 = vector.shape_cast %and3A_368 : vector<16xi32> to vector<16xi32>
      tpu.vector_store %arg7[%swap3A_369], %swap3A_372 {strides = array<i32>} : memref<128xi32, #tpu.memory_space<vmem>>, vector<16xi32>,
      %shift_right_arithmetic3A_373 = arith.constant 16 : i32
      %shift_right_arithmetic3A_374 = vector.broadcast %shift_right_arithmetic3A_373 : i32 to vector<16xi32>
      %shift_right_arithmetic3A_375 = arith.shrsi %get3A_365, %shift_right_arithmetic3A_374 : vector<16xi32>
      %swap3A_376 = arith.constant 16 : index
      %swap3A_377 = tpu.vector_load %arg8[%swap3A_376] {strides = array<i32>} : memref<128xi32, #tpu.memory_space<vmem>>, vector<16xi32>,
      %swap3A_378 = vector.shape_cast %swap3A_377 : vector<16xi32> to vector<16xi32>
      %swap3A_379 = vector.shape_cast %shift_right_arithmetic3A_375 : vector<16xi32> to vector<16xi32>
      tpu.vector_store %arg8[%swap3A_376], %swap3A_379 {strides = array<i32>} : memref<128xi32, #tpu.memory_space<vmem>>, vector<16xi32>,
      %get3A_380 = arith.index_cast %add3A_343 : i32 to index
      %get3A_381 = arith.constant 32 : index
      %get3A_382 = tpu.vector_load %arg6[%get3A_380, %get3A_381] {strides = array<i32>} : memref<80x128xi32, #tpu.memory_space<vmem>>, vector<1x16xi32>,
      %get3A_383 = vector.shape_cast %get3A_382 : vector<1x16xi32> to vector<16xi32>
      %and3A_384 = arith.constant 65535 : i32
      %and3A_385 = vector.broadcast %and3A_384 : i32 to vector<16xi32>
      %and3A_386 = arith.andi %get3A_383, %and3A_385 : vector<16xi32>
      %swap3A_387 = arith.constant 32 : index
      %swap3A_388 = tpu.vector_load %arg7[%swap3A_387] {strides = array<i32>} : memref<128xi32, #tpu.memory_space<vmem>>, vector<16xi32>,
      %swap3A_389 = vector.shape_cast %swap3A_388 : vector<16xi32> to vector<16xi32>
      %swap3A_390 = vector.shape_cast %and3A_386 : vector<16xi32> to vector<16xi32>
      tpu.vector_store %arg7[%swap3A_387], %swap3A_390 {strides = array<i32>} : memref<128xi32, #tpu.memory_space<vmem>>, vector<16xi32>,
      %shift_right_arithmetic3A_391 = arith.constant 16 : i32
      %shift_right_arithmetic3A_392 = vector.broadcast %shift_right_arithmetic3A_391 : i32 to vector<16xi32>
      %shift_right_arithmetic3A_393 = arith.shrsi %get3A_383, %shift_right_arithmetic3A_392 : vector<16xi32>
      %swap3A_394 = arith.constant 32 : index
      %swap3A_395 = tpu.vector_load %arg8[%swap3A_394] {strides = array<i32>} : memref<128xi32, #tpu.memory_space<vmem>>, vector<16xi32>,
      %swap3A_396 = vector.shape_cast %swap3A_395 : vector<16xi32> to vector<16xi32>
      %swap3A_397 = vector.shape_cast %shift_right_arithmetic3A_393 : vector<16xi32> to vector<16xi32>
      tpu.vector_store %arg8[%swap3A_394], %swap3A_397 {strides = array<i32>} : memref<128xi32, #tpu.memory_space<vmem>>, vector<16xi32>,
      %get3A_398 = arith.index_cast %add3A_343 : i32 to index
      %get3A_399 = arith.constant 48 : index
      %get3A_400 = tpu.vector_load %arg6[%get3A_398, %get3A_399] {strides = array<i32>} : memref<80x128xi32, #tpu.memory_space<vmem>>, vector<1x16xi32>,
      %get3A_401 = vector.shape_cast %get3A_400 : vector<1x16xi32> to vector<16xi32>
      %and3A_402 = arith.constant 65535 : i32
      %and3A_403 = vector.broadcast %and3A_402 : i32 to vector<16xi32>
      %and3A_404 = arith.andi %get3A_401, %and3A_403 : vector<16xi32>
      %swap3A_405 = arith.constant 48 : index
      %swap3A_406 = tpu.vector_load %arg7[%swap3A_405] {strides = array<i32>} : memref<128xi32, #tpu.memory_space<vmem>>, vector<16xi32>,
      %swap3A_407 = vector.shape_cast %swap3A_406 : vector<16xi32> to vector<16xi32>
      %swap3A_408 = vector.shape_cast %and3A_404 : vector<16xi32> to vector<16xi32>
      tpu.vector_store %arg7[%swap3A_405], %swap3A_408 {strides = array<i32>} : memref<128xi32, #tpu.memory_space<vmem>>, vector<16xi32>,
      %shift_right_arithmetic3A_409 = arith.constant 16 : i32
      %shift_right_arithmetic3A_410 = vector.broadcast %shift_right_arithmetic3A_409 : i32 to vector<16xi32>
      %shift_right_arithmetic3A_411 = arith.shrsi %get3A_401, %shift_right_arithmetic3A_410 : vector<16xi32>
      %swap3A_412 = arith.constant 48 : index
      %swap3A_413 = tpu.vector_load %arg8[%swap3A_412] {strides = array<i32>} : memref<128xi32, #tpu.memory_space<vmem>>, vector<16xi32>,
      %swap3A_414 = vector.shape_cast %swap3A_413 : vector<16xi32> to vector<16xi32>
      %swap3A_415 = vector.shape_cast %shift_right_arithmetic3A_411 : vector<16xi32> to vector<16xi32>
      tpu.vector_store %arg8[%swap3A_412], %swap3A_415 {strides = array<i32>} : memref<128xi32, #tpu.memory_space<vmem>>, vector<16xi32>,
      %get3A_416 = arith.index_cast %add3A_343 : i32 to index
      %get3A_417 = arith.constant 64 : index
      %get3A_418 = tpu.vector_load %arg6[%get3A_416, %get3A_417] {strides = array<i32>} : memref<80x128xi32, #tpu.memory_space<vmem>>, vector<1x16xi32>,
      %get3A_419 = vector.shape_cast %get3A_418 : vector<1x16xi32> to vector<16xi32>
      %and3A_420 = arith.constant 65535 : i32
      %and3A_421 = vector.broadcast %and3A_420 : i32 to vector<16xi32>
      %and3A_422 = arith.andi %get3A_419, %and3A_421 : vector<16xi32>
      %swap3A_423 = arith.constant 64 : index
      %swap3A_424 = tpu.vector_load %arg7[%swap3A_423] {strides = array<i32>} : memref<128xi32, #tpu.memory_space<vmem>>, vector<16xi32>,
      %swap3A_425 = vector.shape_cast %swap3A_424 : vector<16xi32> to vector<16xi32>
      %swap3A_426 = vector.shape_cast %and3A_422 : vector<16xi32> to vector<16xi32>
      tpu.vector_store %arg7[%swap3A_423], %swap3A_426 {strides = array<i32>} : memref<128xi32, #tpu.memory_space<vmem>>, vector<16xi32>,
      %shift_right_arithmetic3A_427 = arith.constant 16 : i32
      %shift_right_arithmetic3A_428 = vector.broadcast %shift_right_arithmetic3A_427 : i32 to vector<16xi32>
      %shift_right_arithmetic3A_429 = arith.shrsi %get3A_419, %shift_right_arithmetic3A_428 : vector<16xi32>
      %swap3A_430 = arith.constant 64 : index
      %swap3A_431 = tpu.vector_load %arg8[%swap3A_430] {strides = array<i32>} : memref<128xi32, #tpu.memory_space<vmem>>, vector<16xi32>,
      %swap3A_432 = vector.shape_cast %swap3A_431 : vector<16xi32> to vector<16xi32>
      %swap3A_433 = vector.shape_cast %shift_right_arithmetic3A_429 : vector<16xi32> to vector<16xi32>
      tpu.vector_store %arg8[%swap3A_430], %swap3A_433 {strides = array<i32>} : memref<128xi32, #tpu.memory_space<vmem>>, vector<16xi32>,
      %get3A_434 = arith.index_cast %add3A_343 : i32 to index
      %get3A_435 = arith.constant 80 : index
      %get3A_436 = tpu.vector_load %arg6[%get3A_434, %get3A_435] {strides = array<i32>} : memref<80x128xi32, #tpu.memory_space<vmem>>, vector<1x16xi32>,
      %get3A_437 = vector.shape_cast %get3A_436 : vector<1x16xi32> to vector<16xi32>
      %and3A_438 = arith.constant 65535 : i32
      %and3A_439 = vector.broadcast %and3A_438 : i32 to vector<16xi32>
      %and3A_440 = arith.andi %get3A_437, %and3A_439 : vector<16xi32>
      %swap3A_441 = arith.constant 80 : index
      %swap3A_442 = tpu.vector_load %arg7[%swap3A_441] {strides = array<i32>} : memref<128xi32, #tpu.memory_space<vmem>>, vector<16xi32>,
      %swap3A_443 = vector.shape_cast %swap3A_442 : vector<16xi32> to vector<16xi32>
      %swap3A_444 = vector.shape_cast %and3A_440 : vector<16xi32> to vector<16xi32>
      tpu.vector_store %arg7[%swap3A_441], %swap3A_444 {strides = array<i32>} : memref<128xi32, #tpu.memory_space<vmem>>, vector<16xi32>,
      %shift_right_arithmetic3A_445 = arith.constant 16 : i32
      %shift_right_arithmetic3A_446 = vector.broadcast %shift_right_arithmetic3A_445 : i32 to vector<16xi32>
      %shift_right_arithmetic3A_447 = arith.shrsi %get3A_437, %shift_right_arithmetic3A_446 : vector<16xi32>
      %swap3A_448 = arith.constant 80 : index
      %swap3A_449 = tpu.vector_load %arg8[%swap3A_448] {strides = array<i32>} : memref<128xi32, #tpu.memory_space<vmem>>, vector<16xi32>,
      %swap3A_450 = vector.shape_cast %swap3A_449 : vector<16xi32> to vector<16xi32>
      %swap3A_451 = vector.shape_cast %shift_right_arithmetic3A_447 : vector<16xi32> to vector<16xi32>
      tpu.vector_store %arg8[%swap3A_448], %swap3A_451 {strides = array<i32>} : memref<128xi32, #tpu.memory_space<vmem>>, vector<16xi32>,
      %get3A_452 = arith.index_cast %add3A_343 : i32 to index
      %get3A_453 = arith.constant 96 : index
      %get3A_454 = tpu.vector_load %arg6[%get3A_452, %get3A_453] {strides = array<i32>} : memref<80x128xi32, #tpu.memory_space<vmem>>, vector<1x16xi32>,
      %get3A_455 = vector.shape_cast %get3A_454 : vector<1x16xi32> to vector<16xi32>
      %and3A_456 = arith.constant 65535 : i32
      %and3A_457 = vector.broadcast %and3A_456 : i32 to vector<16xi32>
      %and3A_458 = arith.andi %get3A_455, %and3A_457 : vector<16xi32>
      %swap3A_459 = arith.constant 96 : index
      %swap3A_460 = tpu.vector_load %arg7[%swap3A_459] {strides = array<i32>} : memref<128xi32, #tpu.memory_space<vmem>>, vector<16xi32>,
      %swap3A_461 = vector.shape_cast %swap3A_460 : vector<16xi32> to vector<16xi32>
      %swap3A_462 = vector.shape_cast %and3A_458 : vector<16xi32> to vector<16xi32>
      tpu.vector_store %arg7[%swap3A_459], %swap3A_462 {strides = array<i32>} : memref<128xi32, #tpu.memory_space<vmem>>, vector<16xi32>,
      %shift_right_arithmetic3A_463 = arith.constant 16 : i32
      %shift_right_arithmetic3A_464 = vector.broadcast %shift_right_arithmetic3A_463 : i32 to vector<16xi32>
      %shift_right_arithmetic3A_465 = arith.shrsi %get3A_455, %shift_right_arithmetic3A_464 : vector<16xi32>
      %swap3A_466 = arith.constant 96 : index
      %swap3A_467 = tpu.vector_load %arg8[%swap3A_466] {strides = array<i32>} : memref<128xi32, #tpu.memory_space<vmem>>, vector<16xi32>,
      %swap3A_468 = vector.shape_cast %swap3A_467 : vector<16xi32> to vector<16xi32>
      %swap3A_469 = vector.shape_cast %shift_right_arithmetic3A_465 : vector<16xi32> to vector<16xi32>
      tpu.vector_store %arg8[%swap3A_466], %swap3A_469 {strides = array<i32>} : memref<128xi32, #tpu.memory_space<vmem>>, vector<16xi32>,
      %get3A_470 = arith.index_cast %add3A_343 : i32 to index
      %get3A_471 = arith.constant 112 : index
      %get3A_472 = tpu.vector_load %arg6[%get3A_470, %get3A_471] {strides = array<i32>} : memref<80x128xi32, #tpu.memory_space<vmem>>, vector<1x16xi32>,
      %get3A_473 = vector.shape_cast %get3A_472 : vector<1x16xi32> to vector<16xi32>
      %and3A_474 = arith.constant 65535 : i32
      %and3A_475 = vector.broadcast %and3A_474 : i32 to vector<16xi32>
      %and3A_476 = arith.andi %get3A_473, %and3A_475 : vector<16xi32>
      %swap3A_477 = arith.constant 112 : index
      %swap3A_478 = tpu.vector_load %arg7[%swap3A_477] {strides = array<i32>} : memref<128xi32, #tpu.memory_space<vmem>>, vector<16xi32>,
      %swap3A_479 = vector.shape_cast %swap3A_478 : vector<16xi32> to vector<16xi32>
      %swap3A_480 = vector.shape_cast %and3A_476 : vector<16xi32> to vector<16xi32>
      tpu.vector_store %arg7[%swap3A_477], %swap3A_480 {strides = array<i32>} : memref<128xi32, #tpu.memory_space<vmem>>, vector<16xi32>,
      %shift_right_arithmetic3A_481 = arith.constant 16 : i32
      %shift_right_arithmetic3A_482 = vector.broadcast %shift_right_arithmetic3A_481 : i32 to vector<16xi32>
      %shift_right_arithmetic3A_483 = arith.shrsi %get3A_473, %shift_right_arithmetic3A_482 : vector<16xi32>
      %swap3A_484 = arith.constant 112 : index
      %swap3A_485 = tpu.vector_load %arg8[%swap3A_484] {strides = array<i32>} : memref<128xi32, #tpu.memory_space<vmem>>, vector<16xi32>,
      %swap3A_486 = vector.shape_cast %swap3A_485 : vector<16xi32> to vector<16xi32>
      %swap3A_487 = vector.shape_cast %shift_right_arithmetic3A_483 : vector<16xi32> to vector<16xi32>
      tpu.vector_store %arg8[%swap3A_484], %swap3A_487 {strides = array<i32>} : memref<128xi32, #tpu.memory_space<vmem>>, vector<16xi32>,
      %dma_start3A_488 = arith.constant 0 : i32
      %dma_start3A_489 = arith.constant 0 : i32
      %dma_start3A_490 = tpu.memref_slice %arg2[%dma_start3A_488, %dma_start3A_489] : memref<10000x128xf32, #tpu.memory_space<hbm>> -> memref<10000x128xf32, #tpu.memory_space<hbm>>
      tpu.enqueue_indirect_dma source(%dma_start3A_490 : memref<10000x128xf32, #tpu.memory_space<hbm>>) target(%arg11 : memref<128x128xf32, #tpu.memory_space<vmem>>) offsets(%arg7 : memref<128xi32, #tpu.memory_space<vmem>>) semaphore(%arg14 : memref<!tpu.dma_semaphore, #tpu.memory_space<semaphore_mem>>)
      %dma_wait3A_491 = arith.constant 0 : i32
      %dma_wait3A_492 = arith.constant 0 : i32
      %dma_wait3A_493 = tpu.memref_slice %arg2[%dma_wait3A_491, %dma_wait3A_492] : memref<10000x128xf32, #tpu.memory_space<hbm>> -> memref<10000x128xf32, #tpu.memory_space<hbm>>
      tpu.wait_indirect_dma semaphore(%arg15 : memref<!tpu.dma_semaphore, #tpu.memory_space<semaphore_mem>>) src(%dma_wait3A_493 : memref<10000x128xf32, #tpu.memory_space<hbm>>) dst(%arg12 : memref<128x128xf32, #tpu.memory_space<vmem>>)
      "tpu.region"() ({
        %run_scoped3A = tpu.sem_alloc : memref<!tpu.dma_semaphore, #tpu.memory_space<semaphore_mem>>
        %dma_start3A_643 = arith.constant 0 : i32
        %dma_start3A_644 = arith.constant 0 : i32
        %dma_start3A_645 = tpu.memref_slice %arg13[%dma_start3A_643, %dma_start3A_644] : memref<10008x128xf32, #tpu.memory_space<vmem_shared>> -> memref<10008x128xf32, #tpu.memory_space<vmem_shared>>
        tpu.enqueue_indirect_dma source(%arg12 : memref<128x128xf32, #tpu.memory_space<vmem>>) target(%dma_start3A_645 : memref<10008x128xf32, #tpu.memory_space<vmem_shared>>) offsets(%arg10 : memref<128xi32, #tpu.memory_space<vmem>>) semaphore(%run_scoped3A : memref<!tpu.dma_semaphore, #tpu.memory_space<semaphore_mem>>) {add = true}
        %dma_wait3A_646 = arith.constant 0 : i32
        %dma_wait3A_647 = arith.constant 0 : i32
        %dma_wait3A_648 = tpu.memref_slice %arg13[%dma_wait3A_646, %dma_wait3A_647] : memref<10008x128xf32, #tpu.memory_space<vmem_shared>> -> memref<10008x128xf32, #tpu.memory_space<vmem_shared>>
        tpu.wait_indirect_dma semaphore(%run_scoped3A : memref<!tpu.dma_semaphore, #tpu.memory_space<semaphore_mem>>) src(%arg12 : memref<128x128xf32, #tpu.memory_space<vmem>>) dst(%dma_wait3A_648 : memref<10008x128xf32, #tpu.memory_space<vmem_shared>>)
        tpu.yield
      }) : () -> ()
      %add3A_494 = arith.constant 3 : i32
      %add3A_495 = arith.addi %mul3A_338, %add3A_494 : i32
      %get3A_496 = arith.index_cast %add3A_495 : i32 to index
      %get3A_497 = arith.constant 0 : index
      %get3A_498 = tpu.vector_load %arg6[%get3A_496, %get3A_497] {strides = array<i32>} : memref<80x128xi32, #tpu.memory_space<vmem>>, vector<1x16xi32>,
      %get3A_499 = vector.shape_cast %get3A_498 : vector<1x16xi32> to vector<16xi32>
      %and3A_500 = arith.constant 65535 : i32
      %and3A_501 = vector.broadcast %and3A_500 : i32 to vector<16xi32>
      %and3A_502 = arith.andi %get3A_499, %and3A_501 : vector<16xi32>
      %swap3A_503 = arith.constant 0 : index
      %swap3A_504 = tpu.vector_load %arg9[%swap3A_503] {strides = array<i32>} : memref<128xi32, #tpu.memory_space<vmem>>, vector<16xi32>,
      %swap3A_505 = vector.shape_cast %swap3A_504 : vector<16xi32> to vector<16xi32>
      %swap3A_506 = vector.shape_cast %and3A_502 : vector<16xi32> to vector<16xi32>
      tpu.vector_store %arg9[%swap3A_503], %swap3A_506 {strides = array<i32>} : memref<128xi32, #tpu.memory_space<vmem>>, vector<16xi32>,
      %shift_right_arithmetic3A_507 = arith.constant 16 : i32
      %shift_right_arithmetic3A_508 = vector.broadcast %shift_right_arithmetic3A_507 : i32 to vector<16xi32>
      %shift_right_arithmetic3A_509 = arith.shrsi %get3A_499, %shift_right_arithmetic3A_508 : vector<16xi32>
      %swap3A_510 = arith.constant 0 : index
      %swap3A_511 = tpu.vector_load %arg10[%swap3A_510] {strides = array<i32>} : memref<128xi32, #tpu.memory_space<vmem>>, vector<16xi32>,
      %swap3A_512 = vector.shape_cast %swap3A_511 : vector<16xi32> to vector<16xi32>
      %swap3A_513 = vector.shape_cast %shift_right_arithmetic3A_509 : vector<16xi32> to vector<16xi32>
      tpu.vector_store %arg10[%swap3A_510], %swap3A_513 {strides = array<i32>} : memref<128xi32, #tpu.memory_space<vmem>>, vector<16xi32>,
      %get3A_514 = arith.index_cast %add3A_495 : i32 to index
      %get3A_515 = arith.constant 16 : index
      %get3A_516 = tpu.vector_load %arg6[%get3A_514, %get3A_515] {strides = array<i32>} : memref<80x128xi32, #tpu.memory_space<vmem>>, vector<1x16xi32>,
      %get3A_517 = vector.shape_cast %get3A_516 : vector<1x16xi32> to vector<16xi32>
      %and3A_518 = arith.constant 65535 : i32
      %and3A_519 = vector.broadcast %and3A_518 : i32 to vector<16xi32>
      %and3A_520 = arith.andi %get3A_517, %and3A_519 : vector<16xi32>
      %swap3A_521 = arith.constant 16 : index
      %swap3A_522 = tpu.vector_load %arg9[%swap3A_521] {strides = array<i32>} : memref<128xi32, #tpu.memory_space<vmem>>, vector<16xi32>,
      %swap3A_523 = vector.shape_cast %swap3A_522 : vector<16xi32> to vector<16xi32>
      %swap3A_524 = vector.shape_cast %and3A_520 : vector<16xi32> to vector<16xi32>
      tpu.vector_store %arg9[%swap3A_521], %swap3A_524 {strides = array<i32>} : memref<128xi32, #tpu.memory_space<vmem>>, vector<16xi32>,
      %shift_right_arithmetic3A_525 = arith.constant 16 : i32
      %shift_right_arithmetic3A_526 = vector.broadcast %shift_right_arithmetic3A_525 : i32 to vector<16xi32>
      %shift_right_arithmetic3A_527 = arith.shrsi %get3A_517, %shift_right_arithmetic3A_526 : vector<16xi32>
      %swap3A_528 = arith.constant 16 : index
      %swap3A_529 = tpu.vector_load %arg10[%swap3A_528] {strides = array<i32>} : memref<128xi32, #tpu.memory_space<vmem>>, vector<16xi32>,
      %swap3A_530 = vector.shape_cast %swap3A_529 : vector<16xi32> to vector<16xi32>
      %swap3A_531 = vector.shape_cast %shift_right_arithmetic3A_527 : vector<16xi32> to vector<16xi32>
      tpu.vector_store %arg10[%swap3A_528], %swap3A_531 {strides = array<i32>} : memref<128xi32, #tpu.memory_space<vmem>>, vector<16xi32>,
      %get3A_532 = arith.index_cast %add3A_495 : i32 to index
      %get3A_533 = arith.constant 32 : index
      %get3A_534 = tpu.vector_load %arg6[%get3A_532, %get3A_533] {strides = array<i32>} : memref<80x128xi32, #tpu.memory_space<vmem>>, vector<1x16xi32>,
      %get3A_535 = vector.shape_cast %get3A_534 : vector<1x16xi32> to vector<16xi32>
      %and3A_536 = arith.constant 65535 : i32
      %and3A_537 = vector.broadcast %and3A_536 : i32 to vector<16xi32>
      %and3A_538 = arith.andi %get3A_535, %and3A_537 : vector<16xi32>
      %swap3A_539 = arith.constant 32 : index
      %swap3A_540 = tpu.vector_load %arg9[%swap3A_539] {strides = array<i32>} : memref<128xi32, #tpu.memory_space<vmem>>, vector<16xi32>,
      %swap3A_541 = vector.shape_cast %swap3A_540 : vector<16xi32> to vector<16xi32>
      %swap3A_542 = vector.shape_cast %and3A_538 : vector<16xi32> to vector<16xi32>
      tpu.vector_store %arg9[%swap3A_539], %swap3A_542 {strides = array<i32>} : memref<128xi32, #tpu.memory_space<vmem>>, vector<16xi32>,
      %shift_right_arithmetic3A_543 = arith.constant 16 : i32
      %shift_right_arithmetic3A_544 = vector.broadcast %shift_right_arithmetic3A_543 : i32 to vector<16xi32>
      %shift_right_arithmetic3A_545 = arith.shrsi %get3A_535, %shift_right_arithmetic3A_544 : vector<16xi32>
      %swap3A_546 = arith.constant 32 : index
      %swap3A_547 = tpu.vector_load %arg10[%swap3A_546] {strides = array<i32>} : memref<128xi32, #tpu.memory_space<vmem>>, vector<16xi32>,
      %swap3A_548 = vector.shape_cast %swap3A_547 : vector<16xi32> to vector<16xi32>
      %swap3A_549 = vector.shape_cast %shift_right_arithmetic3A_545 : vector<16xi32> to vector<16xi32>
      tpu.vector_store %arg10[%swap3A_546], %swap3A_549 {strides = array<i32>} : memref<128xi32, #tpu.memory_space<vmem>>, vector<16xi32>,
      %get3A_550 = arith.index_cast %add3A_495 : i32 to index
      %get3A_551 = arith.constant 48 : index
      %get3A_552 = tpu.vector_load %arg6[%get3A_550, %get3A_551] {strides = array<i32>} : memref<80x128xi32, #tpu.memory_space<vmem>>, vector<1x16xi32>,
      %get3A_553 = vector.shape_cast %get3A_552 : vector<1x16xi32> to vector<16xi32>
      %and3A_554 = arith.constant 65535 : i32
      %and3A_555 = vector.broadcast %and3A_554 : i32 to vector<16xi32>
      %and3A_556 = arith.andi %get3A_553, %and3A_555 : vector<16xi32>
      %swap3A_557 = arith.constant 48 : index
      %swap3A_558 = tpu.vector_load %arg9[%swap3A_557] {strides = array<i32>} : memref<128xi32, #tpu.memory_space<vmem>>, vector<16xi32>,
      %swap3A_559 = vector.shape_cast %swap3A_558 : vector<16xi32> to vector<16xi32>
      %swap3A_560 = vector.shape_cast %and3A_556 : vector<16xi32> to vector<16xi32>
      tpu.vector_store %arg9[%swap3A_557], %swap3A_560 {strides = array<i32>} : memref<128xi32, #tpu.memory_space<vmem>>, vector<16xi32>,
      %shift_right_arithmetic3A_561 = arith.constant 16 : i32
      %shift_right_arithmetic3A_562 = vector.broadcast %shift_right_arithmetic3A_561 : i32 to vector<16xi32>
      %shift_right_arithmetic3A_563 = arith.shrsi %get3A_553, %shift_right_arithmetic3A_562 : vector<16xi32>
      %swap3A_564 = arith.constant 48 : index
      %swap3A_565 = tpu.vector_load %arg10[%swap3A_564] {strides = array<i32>} : memref<128xi32, #tpu.memory_space<vmem>>, vector<16xi32>,
      %swap3A_566 = vector.shape_cast %swap3A_565 : vector<16xi32> to vector<16xi32>
      %swap3A_567 = vector.shape_cast %shift_right_arithmetic3A_563 : vector<16xi32> to vector<16xi32>
      tpu.vector_store %arg10[%swap3A_564], %swap3A_567 {strides = array<i32>} : memref<128xi32, #tpu.memory_space<vmem>>, vector<16xi32>,
      %get3A_568 = arith.index_cast %add3A_495 : i32 to index
      %get3A_569 = arith.constant 64 : index
      %get3A_570 = tpu.vector_load %arg6[%get3A_568, %get3A_569] {strides = array<i32>} : memref<80x128xi32, #tpu.memory_space<vmem>>, vector<1x16xi32>,
      %get3A_571 = vector.shape_cast %get3A_570 : vector<1x16xi32> to vector<16xi32>
      %and3A_572 = arith.constant 65535 : i32
      %and3A_573 = vector.broadcast %and3A_572 : i32 to vector<16xi32>
      %and3A_574 = arith.andi %get3A_571, %and3A_573 : vector<16xi32>
      %swap3A_575 = arith.constant 64 : index
      %swap3A_576 = tpu.vector_load %arg9[%swap3A_575] {strides = array<i32>} : memref<128xi32, #tpu.memory_space<vmem>>, vector<16xi32>,
      %swap3A_577 = vector.shape_cast %swap3A_576 : vector<16xi32> to vector<16xi32>
      %swap3A_578 = vector.shape_cast %and3A_574 : vector<16xi32> to vector<16xi32>
      tpu.vector_store %arg9[%swap3A_575], %swap3A_578 {strides = array<i32>} : memref<128xi32, #tpu.memory_space<vmem>>, vector<16xi32>,
      %shift_right_arithmetic3A_579 = arith.constant 16 : i32
      %shift_right_arithmetic3A_580 = vector.broadcast %shift_right_arithmetic3A_579 : i32 to vector<16xi32>
      %shift_right_arithmetic3A_581 = arith.shrsi %get3A_571, %shift_right_arithmetic3A_580 : vector<16xi32>
      %swap3A_582 = arith.constant 64 : index
      %swap3A_583 = tpu.vector_load %arg10[%swap3A_582] {strides = array<i32>} : memref<128xi32, #tpu.memory_space<vmem>>, vector<16xi32>,
      %swap3A_584 = vector.shape_cast %swap3A_583 : vector<16xi32> to vector<16xi32>
      %swap3A_585 = vector.shape_cast %shift_right_arithmetic3A_581 : vector<16xi32> to vector<16xi32>
      tpu.vector_store %arg10[%swap3A_582], %swap3A_585 {strides = array<i32>} : memref<128xi32, #tpu.memory_space<vmem>>, vector<16xi32>,
      %get3A_586 = arith.index_cast %add3A_495 : i32 to index
      %get3A_587 = arith.constant 80 : index
      %get3A_588 = tpu.vector_load %arg6[%get3A_586, %get3A_587] {strides = array<i32>} : memref<80x128xi32, #tpu.memory_space<vmem>>, vector<1x16xi32>,
      %get3A_589 = vector.shape_cast %get3A_588 : vector<1x16xi32> to vector<16xi32>
      %and3A_590 = arith.constant 65535 : i32
      %and3A_591 = vector.broadcast %and3A_590 : i32 to vector<16xi32>
      %and3A_592 = arith.andi %get3A_589, %and3A_591 : vector<16xi32>
      %swap3A_593 = arith.constant 80 : index
      %swap3A_594 = tpu.vector_load %arg9[%swap3A_593] {strides = array<i32>} : memref<128xi32, #tpu.memory_space<vmem>>, vector<16xi32>,
      %swap3A_595 = vector.shape_cast %swap3A_594 : vector<16xi32> to vector<16xi32>
      %swap3A_596 = vector.shape_cast %and3A_592 : vector<16xi32> to vector<16xi32>
      tpu.vector_store %arg9[%swap3A_593], %swap3A_596 {strides = array<i32>} : memref<128xi32, #tpu.memory_space<vmem>>, vector<16xi32>,
      %shift_right_arithmetic3A_597 = arith.constant 16 : i32
      %shift_right_arithmetic3A_598 = vector.broadcast %shift_right_arithmetic3A_597 : i32 to vector<16xi32>
      %shift_right_arithmetic3A_599 = arith.shrsi %get3A_589, %shift_right_arithmetic3A_598 : vector<16xi32>
      %swap3A_600 = arith.constant 80 : index
      %swap3A_601 = tpu.vector_load %arg10[%swap3A_600] {strides = array<i32>} : memref<128xi32, #tpu.memory_space<vmem>>, vector<16xi32>,
      %swap3A_602 = vector.shape_cast %swap3A_601 : vector<16xi32> to vector<16xi32>
      %swap3A_603 = vector.shape_cast %shift_right_arithmetic3A_599 : vector<16xi32> to vector<16xi32>
      tpu.vector_store %arg10[%swap3A_600], %swap3A_603 {strides = array<i32>} : memref<128xi32, #tpu.memory_space<vmem>>, vector<16xi32>,
      %get3A_604 = arith.index_cast %add3A_495 : i32 to index
      %get3A_605 = arith.constant 96 : index
      %get3A_606 = tpu.vector_load %arg6[%get3A_604, %get3A_605] {strides = array<i32>} : memref<80x128xi32, #tpu.memory_space<vmem>>, vector<1x16xi32>,
      %get3A_607 = vector.shape_cast %get3A_606 : vector<1x16xi32> to vector<16xi32>
      %and3A_608 = arith.constant 65535 : i32
      %and3A_609 = vector.broadcast %and3A_608 : i32 to vector<16xi32>
      %and3A_610 = arith.andi %get3A_607, %and3A_609 : vector<16xi32>
      %swap3A_611 = arith.constant 96 : index
      %swap3A_612 = tpu.vector_load %arg9[%swap3A_611] {strides = array<i32>} : memref<128xi32, #tpu.memory_space<vmem>>, vector<16xi32>,
      %swap3A_613 = vector.shape_cast %swap3A_612 : vector<16xi32> to vector<16xi32>
      %swap3A_614 = vector.shape_cast %and3A_610 : vector<16xi32> to vector<16xi32>
      tpu.vector_store %arg9[%swap3A_611], %swap3A_614 {strides = array<i32>} : memref<128xi32, #tpu.memory_space<vmem>>, vector<16xi32>,
      %shift_right_arithmetic3A_615 = arith.constant 16 : i32
      %shift_right_arithmetic3A_616 = vector.broadcast %shift_right_arithmetic3A_615 : i32 to vector<16xi32>
      %shift_right_arithmetic3A_617 = arith.shrsi %get3A_607, %shift_right_arithmetic3A_616 : vector<16xi32>
      %swap3A_618 = arith.constant 96 : index
      %swap3A_619 = tpu.vector_load %arg10[%swap3A_618] {strides = array<i32>} : memref<128xi32, #tpu.memory_space<vmem>>, vector<16xi32>,
      %swap3A_620 = vector.shape_cast %swap3A_619 : vector<16xi32> to vector<16xi32>
      %swap3A_621 = vector.shape_cast %shift_right_arithmetic3A_617 : vector<16xi32> to vector<16xi32>
      tpu.vector_store %arg10[%swap3A_618], %swap3A_621 {strides = array<i32>} : memref<128xi32, #tpu.memory_space<vmem>>, vector<16xi32>,
      %get3A_622 = arith.index_cast %add3A_495 : i32 to index
      %get3A_623 = arith.constant 112 : index
      %get3A_624 = tpu.vector_load %arg6[%get3A_622, %get3A_623] {strides = array<i32>} : memref<80x128xi32, #tpu.memory_space<vmem>>, vector<1x16xi32>,
      %get3A_625 = vector.shape_cast %get3A_624 : vector<1x16xi32> to vector<16xi32>
      %and3A_626 = arith.constant 65535 : i32
      %and3A_627 = vector.broadcast %and3A_626 : i32 to vector<16xi32>
      %and3A_628 = arith.andi %get3A_625, %and3A_627 : vector<16xi32>
      %swap3A_629 = arith.constant 112 : index
      %swap3A_630 = tpu.vector_load %arg9[%swap3A_629] {strides = array<i32>} : memref<128xi32, #tpu.memory_space<vmem>>, vector<16xi32>,
      %swap3A_631 = vector.shape_cast %swap3A_630 : vector<16xi32> to vector<16xi32>
      %swap3A_632 = vector.shape_cast %and3A_628 : vector<16xi32> to vector<16xi32>
      tpu.vector_store %arg9[%swap3A_629], %swap3A_632 {strides = array<i32>} : memref<128xi32, #tpu.memory_space<vmem>>, vector<16xi32>,
      %shift_right_arithmetic3A_633 = arith.constant 16 : i32
      %shift_right_arithmetic3A_634 = vector.broadcast %shift_right_arithmetic3A_633 : i32 to vector<16xi32>
      %shift_right_arithmetic3A_635 = arith.shrsi %get3A_625, %shift_right_arithmetic3A_634 : vector<16xi32>
      %swap3A_636 = arith.constant 112 : index
      %swap3A_637 = tpu.vector_load %arg10[%swap3A_636] {strides = array<i32>} : memref<128xi32, #tpu.memory_space<vmem>>, vector<16xi32>,
      %swap3A_638 = vector.shape_cast %swap3A_637 : vector<16xi32> to vector<16xi32>
      %swap3A_639 = vector.shape_cast %shift_right_arithmetic3A_635 : vector<16xi32> to vector<16xi32>
      tpu.vector_store %arg10[%swap3A_636], %swap3A_639 {strides = array<i32>} : memref<128xi32, #tpu.memory_space<vmem>>, vector<16xi32>,
      %dma_start3A_640 = arith.constant 0 : i32
      %dma_start3A_641 = arith.constant 0 : i32
      %dma_start3A_642 = tpu.memref_slice %arg2[%dma_start3A_640, %dma_start3A_641] : memref<10000x128xf32, #tpu.memory_space<hbm>> -> memref<10000x128xf32, #tpu.memory_space<hbm>>
      tpu.enqueue_indirect_dma source(%dma_start3A_642 : memref<10000x128xf32, #tpu.memory_space<hbm>>) target(%arg12 : memref<128x128xf32, #tpu.memory_space<vmem>>) offsets(%arg9 : memref<128xi32, #tpu.memory_space<vmem>>) semaphore(%arg15 : memref<!tpu.dma_semaphore, #tpu.memory_space<semaphore_mem>>)
    }
    %scan3A_323 = arith.constant 39 : i32
    %dma_wait3A_324 = arith.constant 0 : i32
    %dma_wait3A_325 = arith.constant 0 : i32
    %dma_wait3A_326 = tpu.memref_slice %arg2[%dma_wait3A_324, %dma_wait3A_325] : memref<10000x128xf32, #tpu.memory_space<hbm>> -> memref<10000x128xf32, #tpu.memory_space<hbm>>
    tpu.wait_indirect_dma semaphore(%arg14 : memref<!tpu.dma_semaphore, #tpu.memory_space<semaphore_mem>>) src(%dma_wait3A_326 : memref<10000x128xf32, #tpu.memory_space<hbm>>) dst(%arg11 : memref<128x128xf32, #tpu.memory_space<vmem>>)
    "tpu.region"() ({
      %run_scoped3A = tpu.sem_alloc : memref<!tpu.dma_semaphore, #tpu.memory_space<semaphore_mem>>
      %dma_start3A_336 = arith.constant 0 : i32
      %dma_start3A_337 = arith.constant 0 : i32
      %dma_start3A_338 = tpu.memref_slice %arg13[%dma_start3A_336, %dma_start3A_337] : memref<10008x128xf32, #tpu.memory_space<vmem_shared>> -> memref<10008x128xf32, #tpu.memory_space<vmem_shared>>
      tpu.enqueue_indirect_dma source(%arg11 : memref<128x128xf32, #tpu.memory_space<vmem>>) target(%dma_start3A_338 : memref<10008x128xf32, #tpu.memory_space<vmem_shared>>) offsets(%arg8 : memref<128xi32, #tpu.memory_space<vmem>>) semaphore(%run_scoped3A : memref<!tpu.dma_semaphore, #tpu.memory_space<semaphore_mem>>) {add = true}
      %dma_wait3A_339 = arith.constant 0 : i32
      %dma_wait3A_340 = arith.constant 0 : i32
      %dma_wait3A_341 = tpu.memref_slice %arg13[%dma_wait3A_339, %dma_wait3A_340] : memref<10008x128xf32, #tpu.memory_space<vmem_shared>> -> memref<10008x128xf32, #tpu.memory_space<vmem_shared>>
      tpu.wait_indirect_dma semaphore(%run_scoped3A : memref<!tpu.dma_semaphore, #tpu.memory_space<semaphore_mem>>) src(%arg11 : memref<128x128xf32, #tpu.memory_space<vmem>>) dst(%dma_wait3A_341 : memref<10008x128xf32, #tpu.memory_space<vmem_shared>>)
      tpu.yield
    }) : () -> ()
    %dma_wait3A_327 = arith.constant 0 : i32
    %dma_wait3A_328 = arith.constant 0 : i32
    %dma_wait3A_329 = tpu.memref_slice %arg2[%dma_wait3A_327, %dma_wait3A_328] : memref<10000x128xf32, #tpu.memory_space<hbm>> -> memref<10000x128xf32, #tpu.memory_space<hbm>>
    tpu.wait_indirect_dma semaphore(%arg15 : memref<!tpu.dma_semaphore, #tpu.memory_space<semaphore_mem>>) src(%dma_wait3A_329 : memref<10000x128xf32, #tpu.memory_space<hbm>>) dst(%arg12 : memref<128x128xf32, #tpu.memory_space<vmem>>)
    "tpu.region"() ({
      %run_scoped3A = tpu.sem_alloc : memref<!tpu.dma_semaphore, #tpu.memory_space<semaphore_mem>>
      %dma_start3A_336 = arith.constant 0 : i32
      %dma_start3A_337 = arith.constant 0 : i32
      %dma_start3A_338 = tpu.memref_slice %arg13[%dma_start3A_336, %dma_start3A_337] : memref<10008x128xf32, #tpu.memory_space<vmem_shared>> -> memref<10008x128xf32, #tpu.memory_space<vmem_shared>>
      tpu.enqueue_indirect_dma source(%arg12 : memref<128x128xf32, #tpu.memory_space<vmem>>) target(%dma_start3A_338 : memref<10008x128xf32, #tpu.memory_space<vmem_shared>>) offsets(%arg10 : memref<128xi32, #tpu.memory_space<vmem>>) semaphore(%run_scoped3A : memref<!tpu.dma_semaphore, #tpu.memory_space<semaphore_mem>>) {add = true}
      %dma_wait3A_339 = arith.constant 0 : i32
      %dma_wait3A_340 = arith.constant 0 : i32
      %dma_wait3A_341 = tpu.memref_slice %arg13[%dma_wait3A_339, %dma_wait3A_340] : memref<10008x128xf32, #tpu.memory_space<vmem_shared>> -> memref<10008x128xf32, #tpu.memory_space<vmem_shared>>
      tpu.wait_indirect_dma semaphore(%run_scoped3A : memref<!tpu.dma_semaphore, #tpu.memory_space<semaphore_mem>>) src(%arg12 : memref<128x128xf32, #tpu.memory_space<vmem>>) dst(%dma_wait3A_341 : memref<10008x128xf32, #tpu.memory_space<vmem_shared>>)
      tpu.yield
    }) : () -> ()
    %barrier3A_330 = arith.constant 0 : index
    tpu.barrier barrier_id(%barrier3A_330)
    "tpu.region"() ({
      %run_scoped3A = tpu.sem_alloc : memref<!tpu.dma_semaphore, #tpu.memory_space<semaphore_mem>>
      %dma_start3A_336 = arith.constant 0 : i32
      %dma_start3A_337 = tpu.memref_slice %arg5[%arg0, %mul3A_2, %dma_start3A_336] : memref<2x10000x128xf32, #tpu.memory_space<hbm>> -> memref<1x624x128xf32, #tpu.memory_space<hbm>>
      %dma_start3A_338 = tpu.memref_squeeze %dma_start3A_337 : memref<1x624x128xf32, #tpu.memory_space<hbm>> -> memref<624x128xf32, #tpu.memory_space<hbm>>
      %dma_start3A_339 = arith.constant 0 : i32
      %dma_start3A_340 = tpu.memref_slice %arg13[%mul3A_2, %dma_start3A_339] : memref<10008x128xf32, #tpu.memory_space<vmem_shared>> -> memref<624x128xf32, #tpu.memory_space<vmem_shared>>
      tpu.enqueue_dma source(%dma_start3A_340 : memref<624x128xf32, #tpu.memory_space<vmem_shared>>) target(%dma_start3A_338 : memref<624x128xf32, #tpu.memory_space<hbm>>) target_semaphore(%run_scoped3A : memref<!tpu.dma_semaphore, #tpu.memory_space<semaphore_mem>>)
      %dma_wait3A_341 = arith.constant 0 : i32
      %dma_wait3A_342 = tpu.memref_slice %arg5[%arg0, %mul3A_2, %dma_wait3A_341] : memref<2x10000x128xf32, #tpu.memory_space<hbm>> -> memref<1x624x128xf32, #tpu.memory_space<hbm>>
      %dma_wait3A_343 = tpu.memref_squeeze %dma_wait3A_342 : memref<1x624x128xf32, #tpu.memory_space<hbm>> -> memref<624x128xf32, #tpu.memory_space<hbm>>
      %dma_wait3A_344 = arith.constant 0 : i32
      %dma_wait3A_345 = tpu.memref_slice %arg13[%mul3A_2, %dma_wait3A_344] : memref<10008x128xf32, #tpu.memory_space<vmem_shared>> -> memref<624x128xf32, #tpu.memory_space<vmem_shared>>
      tpu.wait_dma2 semaphore(%run_scoped3A : memref<!tpu.dma_semaphore, #tpu.memory_space<semaphore_mem>>) src(%dma_wait3A_345 : memref<624x128xf32, #tpu.memory_space<vmem_shared>>) dst(%dma_wait3A_343 : memref<624x128xf32, #tpu.memory_space<hbm>>)
      tpu.yield
    }) : () -> ()
    %eq3A_331 = arith.constant 15 : i32
    %eq3A_332 = arith.cmpi eq, %arg1, %eq3A_331 : i32
    %convert_element_type3A_333 = arith.extui %eq3A_332 : i1 to i32
    %cond3A_334 = arith.constant 0 : i32
    %cond3A_335 = arith.cmpi ne, %convert_element_type3A_333, %cond3A_334 : i32
    scf.if %cond3A_335 {
      "tpu.region"() ({
        %run_scoped3A = tpu.sem_alloc : memref<!tpu.dma_semaphore, #tpu.memory_space<semaphore_mem>>
        %dma_start3A_336 = arith.constant 9984 : i32
        %dma_start3A_337 = arith.constant 0 : i32
        %dma_start3A_338 = tpu.memref_slice %arg5[%arg0, %dma_start3A_336, %dma_start3A_337] : memref<2x10000x128xf32, #tpu.memory_space<hbm>> -> memref<1x16x128xf32, #tpu.memory_space<hbm>>
        %dma_start3A_339 = tpu.memref_squeeze %dma_start3A_338 : memref<1x16x128xf32, #tpu.memory_space<hbm>> -> memref<16x128xf32, #tpu.memory_space<hbm>>
        %dma_start3A_340 = arith.constant 9984 : i32
        %dma_start3A_341 = arith.constant 0 : i32
        %dma_start3A_342 = tpu.memref_slice %arg13[%dma_start3A_340, %dma_start3A_341] : memref<10008x128xf32, #tpu.memory_space<vmem_shared>> -> memref<16x128xf32, #tpu.memory_space<vmem_shared>>
        tpu.enqueue_dma source(%dma_start3A_342 : memref<16x128xf32, #tpu.memory_space<vmem_shared>>) target(%dma_start3A_339 : memref<16x128xf32, #tpu.memory_space<hbm>>) target_semaphore(%run_scoped3A : memref<!tpu.dma_semaphore, #tpu.memory_space<semaphore_mem>>)
        %dma_wait3A_343 = arith.constant 9984 : i32
        %dma_wait3A_344 = arith.constant 0 : i32
        %dma_wait3A_345 = tpu.memref_slice %arg5[%arg0, %dma_wait3A_343, %dma_wait3A_344] : memref<2x10000x128xf32, #tpu.memory_space<hbm>> -> memref<1x16x128xf32, #tpu.memory_space<hbm>>
        %dma_wait3A_346 = tpu.memref_squeeze %dma_wait3A_345 : memref<1x16x128xf32, #tpu.memory_space<hbm>> -> memref<16x128xf32, #tpu.memory_space<hbm>>
        %dma_wait3A_347 = arith.constant 9984 : i32
        %dma_wait3A_348 = arith.constant 0 : i32
        %dma_wait3A_349 = tpu.memref_slice %arg13[%dma_wait3A_347, %dma_wait3A_348] : memref<10008x128xf32, #tpu.memory_space<vmem_shared>> -> memref<16x128xf32, #tpu.memory_space<vmem_shared>>
        tpu.wait_dma2 semaphore(%run_scoped3A : memref<!tpu.dma_semaphore, #tpu.memory_space<semaphore_mem>>) src(%dma_wait3A_349 : memref<16x128xf32, #tpu.memory_space<vmem_shared>>) dst(%dma_wait3A_346 : memref<16x128xf32, #tpu.memory_space<hbm>>)
        tpu.yield
      }) : () -> ()
    } else {
    }
    return
  }
}

</mosaic_0001>

<sc_bundles>
// kernel: _edge_aggregate.3.cloned.1.call-start
scs
__scs_entry_jumppad:
0x0: {  	(pc) =	sbr.rel $0x88, $3  }
0x1: {  	(tag) =	ssettag $0x0;
	lr =	simm.s32 $0x1  }
0x2: {  	[smem:$0x3F9D] =	sst lr;
	_ =	strace $0xD0000000  }
0x3: {  	_ = 	snop  }
0x4: {  	_ = 	snop  }
0x5: {  	_ = 	snop  }
0x6: {  	_ = 	snop  }
0x7: {  	_ = 	snop  }
__scs_overlays_trampoline_lowered:
0x8: {  	[smem:$0x3FAC] =	sst s0  }
0x9: {  	[smem:$0x3FAD] =	sst s1  }
0xa: {  	[smem:$0x3FAE] =	sst s2  }
0xb: {  	[smem:$0x3FAF] =	sst s3  }
0xc: {  	[smem:$0x3FB0] =	sst s4  }
0xd: {  	[smem:$0x3FB1] =	sst s5  }
0xe: {  	[smem:$0x3FB2] =	sst s6  }
0xf: {  	[smem:$0x3FB3] =	sst s7  }
0x10: {  	[smem:$0x3FB4] =	sst s8  }
0x11: {  	[smem:$0x3FB5] =	sst s9;
	s0 =	simm.s32 @!p0 $0x0  }
0x12: {  	s1 =	sld [smem:$0x3F9B];
	s0 =	simm.s32 @p0 $0x1  }
0x13: {  	[smem:$0x3FB6] =	sst s0;
	s0 =	simm.s32 @!p1 $0x0  }
0x14: {  	s2 =	sld [smem:$0x3F9A];
	s0 =	simm.s32 @p1 $0x1  }
0x15: {  	[smem:$0x3FB7] =	sst s0;
	s0 =	simm.s32 @!p2 $0x0  }
0x16: {  	s3 =	sld [smem:$0x3FDB];
	s0 =	simm.s32 @p2 $0x1  }
0x17: {  	s4 =	simm.s32 $0x1BF5;
	[smem:$0x3FB9] =	sst s0  }
0x18: {  	s0 =	sld [smem:$0x3F9C];
	_ =	swait.ge [sflag:s4], $0x0  }
0x19: {  	s7 =	sld [smem:$0x3F9D]  }
0x1a: {  	s8 =	sadd.s32 $0xFFFFE003, lr  }
0x1b: {  	s9 =	sadd.s32 $0xFFFFFEF7, lr;
	s5 =	simm.s32 $0xFFFFFFFF;
	p2 =	slt.u32 s8, $0xFFFFF086  }
0x1c: {  	p1 =	slt.u32 s9, $0xF7A;
	s5 =	simm.s32 @!p2 $0x0  }
0x1d: {  	s5 =	simm.s32 @p1 $0x1;
	p0 =	seq.s32 s7, s2  }
0x1e: {  	s7 =	smul.u32 @!p0 $0xF7A, s2;
	p2 =	seq.s32 @!p0 s5, $0x0  }
0x1f: {  	s9 =	smul.u32 $0xF7A, s1;
	s8 =	simm.s32 @!p0 $0x1BF5;
	p2 =	por !p2, p0  }
0x20: {  	[sflag:s8] =	ssyncset.s32 @!p0 $0xFFFFF086;
	s6 =	sadd.s32 @!p0 s3, s7;
	s7 =	simm.s32 @!p0 $0x108  }
0x21: {  	s3 =	sadd.s32 s3, s9;
	s6 =	sadd.s32 @!p0 $0x88, s6;
	s7 =	simm.s32 @p2 $0x1082  }
0x22: {  	[simem:s7], [sflag:s8] =	dma.local @!p0 [hbm:s6], $0xF7A  }
0x23: {  	s9 =	sor.u32 $0xD0000000, s2;
	s6 =	simm.s32 $0x108;
	_ =	swait.ge @!p0 [sflag:s8], $0x0  }
0x24: {  	s3 =	sadd.s32 $0x88, s3;
	s6 =	simm.s32 @!p1 $0x1082;
	[sflag:s4] =	ssyncset.s32 $0xFFFFF086  }
0x25: {  	[simem:s6], [sflag:s4] =	dma.local [hbm:s3], $0xF7A  }
0x26: {  	[smem:$0x3F9D] =	sst s1;
	(tag) =	ssettag s2;
	_ =	strace s9  }
0x27: {  	s1 =	sld [smem:$0x3FAD]  }
0x28: {  	s2 =	sld [smem:$0x3FAE]  }
0x29: {  	s4 =	sld [smem:$0x3FB0]  }
0x2a: {  	p0 =	seq.s32 s5, $0x0;
	s5 =	sld [smem:$0x3FB1]  }
0x2b: {  	s6 =	sld [smem:$0x3FB2]  }
0x2c: {  	s7 =	sld [smem:$0x3FB3]  }
0x2d: {  	s3 =	simm.s32 $0x108;
	s8 =	sld [smem:$0x3FB4]  }
0x2e: {  	s3 =	simm.s32 @!p0 $0x1082;
	s9 =	sld [smem:$0x3FB5]  }
0x2f: {  	lr =	sadd.s32 s0, s3;
	s0 =	sld [smem:$0x3FAC]  }
0x30: {  	s3 =	sld [smem:$0x3FAF]  }
0x31: {  	[smem:$0x3FB8] =	sst s10  }
0x32: {  	s10 =	sld [smem:$0x3FB6];
	_ =	sdelay $0x3  }
0x33: {  	p0 =	seq.s32 s10, $0x1;
	s10 =	sld [smem:$0x3FB8];
	_ =	sdelay $0x3  }
0x34: {  	[smem:$0x3FB8] =	sst s10  }
0x35: {  	s10 =	sld [smem:$0x3FB7];
	_ =	sdelay $0x3  }
0x36: {  	p1 =	seq.s32 s10, $0x1;
	s10 =	sld [smem:$0x3FB8];
	_ =	sdelay $0x3  }
0x37: {  	[smem:$0x3FB8] =	sst s10  }
0x38: {  	s10 =	sld [smem:$0x3FB9]  }
0x39: {  	_ = 	snop;
	(pc) =	sbr.ind lr, $3  }
0x3a: {  	_ = 	snop  }
0x3b: {  	_ = 	snop  }
0x3c: {  	p2 =	seq.s32 s10, $0x1;
	s10 =	sld [smem:$0x3FB8]  }
0x3d: {  	_ =	shalt  }
0x3e: {  	_ =	shalt  }
0x3f: {  	_ =	shalt  }
0x40: {  	_ =	shalt  }
0x41: {  	_ =	shalt  }
0x42: {  	_ =	shalt  }
0x43: {  	_ =	shalt  }
0x44: {  	_ =	shalt  }
0x45: {  	_ =	shalt  }
0x46: {  	_ =	shalt  }
0x47: {  	_ =	shalt  }
0x48: {  	_ =	shalt  }
0x49: {  	_ =	shalt  }
0x4a: {  	_ =	shalt  }
0x4b: {  	_ =	shalt  }
0x4c: {  	_ =	shalt  }
0x4d: {  	_ =	shalt  }
0x4e: {  	_ =	shalt  }
0x4f: {  	_ =	shalt  }
0x50: {  	_ =	shalt  }
0x51: {  	_ =	shalt  }
0x52: {  	_ =	shalt  }
0x53: {  	_ =	shalt  }
0x54: {  	_ =	shalt  }
0x55: {  	_ =	shalt  }
0x56: {  	_ =	shalt  }
0x57: {  	_ =	shalt  }
0x58: {  	_ =	shalt  }
0x59: {  	_ =	shalt  }
0x5a: {  	_ =	shalt  }
0x5b: {  	_ =	shalt  }
0x5c: {  	_ =	shalt  }
0x5d: {  	_ =	shalt  }
0x5e: {  	_ =	shalt  }
0x5f: {  	_ =	shalt  }
0x60: {  	_ =	shalt  }
0x61: {  	_ =	shalt  }
0x62: {  	_ =	shalt  }
0x63: {  	_ =	shalt  }
0x64: {  	_ =	shalt  }
0x65: {  	_ =	shalt  }
0x66: {  	_ =	shalt  }
0x67: {  	_ =	shalt  }
0x68: {  	_ =	shalt  }
0x69: {  	_ =	shalt  }
0x6a: {  	_ =	shalt  }
0x6b: {  	_ =	shalt  }
0x6c: {  	_ =	shalt  }
0x6d: {  	_ =	shalt  }
0x6e: {  	_ =	shalt  }
0x6f: {  	_ =	shalt  }
0x70: {  	_ =	shalt  }
0x71: {  	_ =	shalt  }
0x72: {  	_ =	shalt  }
0x73: {  	_ =	shalt  }
0x74: {  	_ =	shalt  }
0x75: {  	_ =	shalt  }
0x76: {  	_ =	shalt  }
0x77: {  	_ =	shalt  }
0x78: {  	_ =	shalt  }
0x79: {  	_ =	shalt  }
0x7a: {  	_ =	shalt  }
0x7b: {  	_ =	shalt  }
0x7c: {  	_ =	shalt  }
0x7d: {  	_ =	shalt  }
0x7e: {  	_ =	shalt  }
0x7f: {  	_ =	shalt  }
0x80: {  	_ =	shalt  }
0x81: {  	_ =	shalt  }
0x82: {  	_ =	shalt  }
0x83: {  	_ =	shalt  }
0x84: {  	_ =	shalt  }
0x85: {  	_ =	shalt  }
0x86: {  	_ =	shalt  }
0x87: {  	_ =	shalt  }
.Lfunc_end0:
.L_simem_size_0:
called_computation_lowered:
.L_overlay_start_0:
0x88: {  	s2 =	sld [smem:$0x3FD9]  }
0x89: {  	s3 =	sld [smem:$0x3FFE];
	_ =	sdelay $0x1  }
0x8a: {  	s1 =	srdreg.scid  }
0x8b: {  	s0 =	sand.u32 $0x1, s1  }
0x8c: {  	s17 =	sshll.u32 s0, $0xA;
	s2 =	sadd.s32 s3, s2  }
0x8d: {  	s2 =	sadd.s32 s2, s17  }
0x8e: {  	[smem:$0x3FC4] =	sst s2  }
0x8f: {  	_ = 	snop  }
0x90: {  	s2 =	sld [smem:$0x3FC9]  }
0x91: {  	s18 =	sld [smem:$0x3FC6]  }
0x92: {  	s4 =	sld [smem:$0x3FD0];
	(tm) =	ssettm $0x1  }
0x93: {  	s5 =	sld [smem:$0x3FFB];
	_ =	sdelay $0x3  }
0x94: {  	_ =	strace s5  }
0x95: {  	s5 =	sld [smem:$0x3FFC];
	_ =	sdelay $0x3  }
0x96: {  	_ =	strace s5  }
0x97: {  	s5 =	sld [smem:$0x3FFD];
	_ =	sdelay $0x3  }
0x98: {  	_ =	strace s5  }
0x99: {  	_ =	strace $0x8FFFFFFF  }
0x9a: {  	s19 =	sld [smem:$0x3FDB];
	_ =	sdelay $0x1  }
0x9b: {  	s6 =	simm.s32 $_scs_section_size  }
0x9c: {  	s7 =	simm.s32 $_size__tile_overlayer_lowered;
	s8 =	simm.s32 $_tile_overlayer_lowered  }
0x9d: {  	s22 =	simm.s32 $0x1BFF;
	s21 =	sshll.u32 s8, $0x1;
	s5 =	sadd.s32 s6, s19  }
0x9e: {  	s9 =	simm.s32 $0x0;
	s20 =	sshll.u32 s7, $0x1;
	s7 =	sadd.s32 s21, s5  }
0x9f: {  	[timem:s9], [sflag:s22] =	dma.local [hbm:s7], s20  }
0xa0: {  	_ =	swait.ge [sflag:s22], s20  }
0xa1: {  	s6 =	ssub.s32 $0x0, s20;
	[sflag:s22] =	ssyncset.done $0x0  }
0xa2: {  	[sflag:s22] =	ssyncadd.s32 s6;
	_ =	sdelay $0x1  }
0xa3: {  	s23 =	simm.s32 $0x1B8B  }
0xa4: {  	_ =	swait.ge [sflag:s23], $0x1  }
0xa5: {  	[sflag:s23] =	ssyncset.done $0x0  }
0xa6: {  	s25 =	simm.s32 $0x1B8E;
	s24 =	sld [smem:$0x3FFE];
	[sflag:s23] =	ssyncadd.s32 $0xFFFFFFFF  }
0xa7: {  	s26 =	simm.s32 $execute0_lowered;
	[smem:$0x3FD2] =	sst s25  }
0xa8: {  	s7 =	sshll.u32 s26, $0x1;
	_ =	strace $0x80000046;
	[dreg:$0x1] =	wrdreg $0xFFFFFFFF  }
0xa9: {  	s28 =	simm.s32 $_size_execute0_lowered;
	s5 =	sadd.s32 s5, s7;
	[dreg:$0x0] =	wrdreg $0x0  }
0xaa: {  	s7 =	sshll.u32 s28, $0x1;
	[dreg:$0x2] =	wrdreg s5  }
0xab: {  	[dreg:$0x3] =	wrdreg s7  }
0xac: {  	[dreg:$0x4] =	wrdreg $0xC0  }
0xad: {  	_ =	task [dreg:s9], $0x5FFFF  }
0xae: {  	[dreg:$0x1] =	wrdreg $0xFFFFFFFF  }
0xaf: {  	[dreg:$0x0] =	wrdreg $0x60  }
0xb0: {  	[dreg:$0x2] =	wrdreg s2  }
0xb1: {  	[dreg:$0x3] =	wrdreg s24  }
0xb2: {  	[dreg:$0x4] =	wrdreg s18  }
0xb3: {  	[dreg:$0x5] =	wrdreg s4  }
0xb4: {  	[dreg:$0x6] =	wrdreg $0xAA000  }
0xb5: {  	[dreg:$0x7] =	wrdreg $0x9  }
0xb6: {  	_ =	task.clear_ibuf [dreg:s9], $0x8FFFF;
	_ =	strace $0x90000046  }
0xb7: {  	s29 =	simm.s32 $0x9;
	_ =	strace $0x80000048  }
0xb8: {  	_ =	swait.ge [sflag:s29], $0x1  }
0xb9: {  	[sflag:s29] =	ssyncadd.s32 $0xFFFFFFFF  }
0xba: {  	_ =	strace $0x90000048  }
0xbb: {  	_ =	sfence  }
0xbc: {  	s30 =	sld [smem:$0x0];
	_ =	sdelay $0x2  }
0xbd: {  	s31 =	sshll.u32 s1, $0xD;
	s1 =	sshrl.u32 s1, $0x2  }
0xbe: {  	s3 =	sand.u32 $0x4000, s31;
	s1 =	sadd.s32 s1, s30  }
0xbf: {  	s0 =	sor.u32 s3, s0;
	s1 =	sshll.u32 s1, $0x11  }
0xc0: {  	s0 =	sor.u32 s1, s0  }
0xc1: {  	s0 =	sadd.s32 $0x8F2B, s0  }
0xc2: {  	[sflag:s0] =	ssyncadd.remote.s32 $0x1  }
0xc3: {  	_ =	sfence.sel $0xFFFF  }
0xc4: {  	[dreg:$0x0] =	wrdreg $0xFFFFFFFF;
	(pc) =	sbr.abs _section_cstart, $3  }
0xc5: {  	[dreg:$0x1] =	wrdreg $0xFFFFFFFF  }
0xc6: {  	_ =	task.clear_ibuf [dreg:s9], $0x2FFFF;
	_ =	strace $0x9FFFFFFF  }
0xc7: {  	(tm) =	ssettm $0x7FFFFFFF  }
tec
execute0_lowered:
.L_overlay_start_1:
0x0: {  	(tag) =	ssettag $0x1  }
0x1: {  	s1 =	rddreg [dreg:$0x0]  }
0x2: {  	s5 =	rddreg [dreg:$0x1]  }
0x3: {  	s8 =	rddreg [dreg:$0x2]  }
0x4: {  	s10 =	rddreg [dreg:$0x3]  }
0x5: {  	s3 =	rddreg [dreg:$0x4]  }
0x6: {  	s0 =	rddreg [dreg:$0x5]  }
0x7: {  	s6 =	srdreg.scid;
	s2 =	stileid.u32  }
0x8: {  	s4 =	simm.s32 $0x0;
	s17 =	simm.s32 $0x2800;
	s18 =	simm.s32 $0x2A00  }
0x9: {  	s19 =	simm.s32 $0x2900;
	s20 =	simm.s32 $0x6A00;
	s21 =	simm.s32 $0x3  }
0xa: {  	s22 =	simm.s32 $0x1;
	s23 =	simm.s32 $0x2880;
	s24 =	simm.s32 $0x2  }
0xb: {  	s25 =	simm.s32 $0x2980;
	s26 =	simm.s32 $0x0;
	s6 =	sand.u32 $0x1, s6  }
0xc: {  	s7 =	sshll.u32 s2, $0x1;
	[smem:$0x7FF] =	sst s4;
	s9 =	smul.u32 $0x4E000, s2  }
0xd: {  	s13 =	smul.u32 $0x13800, s2;
	s16 =	sadd.s32 $0x138000, s3;
	p0 =	sne.s32 s2, $0xF  }
0xe: {  	s7 =	sor.u32 s6, s7;
	s11 =	ssub.s32 $0x2, s6;
	s29 =	smul.u32 $0x138800, s6  }
0xf: {  	_ =	strace $0x80000047;
	s7 =	smul.u32 $0x500, s7;
	s12 =	sshrl.u32 s11, $0x1  }
0x10: {  	s9 =	sshrl.u32 s9, $0x2;
	s28 =	sshrl.u32 s13, $0x3;
	s12 =	ssub.s32 s11, s12  }
0x11: {  	s15 =	sadd.s32 s9, s3;
	s6 =	sadd.s32 s8, s28;
	s8 =	sadd.s32 $0x27000, s8  }
0x12: {  	s30 =	sadd.s32 s13, s29;
	s31 =	sshrl.u32 s29, $0x3;
	s14 =	sadd.s32 s7, s5  }
0x13: {  	s5 =	sshll.u32 s2, $0x6;
	s11 =	sshrl.u32 s30, $0x3;
	s13 =	sadd.s32 s10, s31  }
0x14: {  	s12 =	smax.u32 s12, $0x1;
	s7 =	sor.u32 $0x1C03, s5;
	s9 =	sadd.s32 $0x400, s14  }
0x15: {  	s10 =	sadd.s32 s10, s11;
	s11 =	sadd.s32 $0x27000, s13;
	s13 =	sshrl.u32 s15, $0x3  }
0x16: {  	s14 =	sshrl.u32 @!p0 s16, $0x3;
	s15 =	simm.s32 $0x5;
	s16 =	simm.s32 $0x80  }
.LBB2_1:
0x17: {  	[spmem:s13], [sflag:s7] =	dma.local [hbm:s6], $0x2700  }
0x18: {  	s28 =	simm.s32 @!p0 $0x1FC4  }
0x19: {  	[spmem:s14], [sflag:s28] =	dma.local @!p0 [hbm:s8], $0x100  }
0x1a: {  	s28 =	simm.s32 @!p0 $0x4  }
0x1b: {  	_ =	swait.ge @!p0 [sflag:s28], $0x100  }
0x1c: {  	[sflag:s28] =	ssyncset.done @!p0 $0x0  }
0x1d: {  	[sflag:s28] =	ssyncadd.s32 @!p0 $0xFFFFFF00  }
0x1e: {  	[tilespmem:s4], [sflag:$0x5] =	stream.linear.gather [hbm4b:s9+s4], $0x2800, $0x38;
	[tilespmem:$0x1E2C0] =	vst v63  }
0x1f: {  	_ =	swait.ge [sflag:s15], $0x2800  }
0x20: {  	[sflag:s15] =	ssyncset.done $0x0  }
0x21: {  	[sflag:s15] =	ssyncadd.s32 $0xFFFFD800  }
0x22: {  	v0 =	vld [tilespmem:$0x0];
	_ =	sdelay $0x1  }
0x23: {  	v1 =	vld [tilespmem:$0x10];
	_ =	sdelay $0x1  }
0x24: {  	v2 =	vld [tilespmem:$0x20]  }
0x25: {  	v3 =	vand.u32 $0xFFFF, v0  }
0x26: {  	v63 =	vld [tilespmem:$0x30];
	v0 =	vshra.s32 v0, $0x10;
	[tilespmem:$0x2800] =	vst v3  }
0x27: {  	v6 =	vand.u32 $0xFFFF, v1;
	[tilespmem:$0x2880] =	vst v0  }
0x28: {  	v8 =	vld [tilespmem:$0x40];
	v7 =	vshra.s32 v1, $0x10;
	[tilespmem:$0x2810] =	vst v6  }
0x29: {  	v9 =	vand.u32 $0xFFFF, v2;
	[tilespmem:$0x2890] =	vst v7  }
0x2a: {  	v11 =	vld [tilespmem:$0x50];
	v10 =	vshra.s32 v2, $0x10;
	[tilespmem:$0x2820] =	vst v9  }
0x2b: {  	v12 =	vand.u32 $0xFFFF, v63;
	[tilespmem:$0x28A0] =	vst v10  }
0x2c: {  	v14 =	vld [tilespmem:$0x60];
	v13 =	vshra.s32 v63, $0x10;
	[tilespmem:$0x2830] =	vst v12  }
0x2d: {  	v15 =	vand.u32 $0xFFFF, v8;
	[tilespmem:$0x28B0] =	vst v13  }
0x2e: {  	v17 =	vld [tilespmem:$0x70];
	v16 =	vshra.s32 v8, $0x10;
	[tilespmem:$0x2840] =	vst v15  }
0x2f: {  	v18 =	vand.u32 $0xFFFF, v11;
	[tilespmem:$0x28C0] =	vst v16  }
0x30: {  	v20 =	vld [tilespmem:$0x80];
	v19 =	vshra.s32 v11, $0x10;
	[tilespmem:$0x2850] =	vst v18  }
0x31: {  	v21 =	vand.u32 $0xFFFF, v14;
	[tilespmem:$0x28D0] =	vst v19  }
0x32: {  	v23 =	vld [tilespmem:$0x90];
	v22 =	vshra.s32 v14, $0x10;
	[tilespmem:$0x2860] =	vst v21  }
0x33: {  	v24 =	vand.u32 $0xFFFF, v17;
	[tilespmem:$0x28E0] =	vst v22  }
0x34: {  	v26 =	vld [tilespmem:$0xA0];
	v25 =	vshra.s32 v17, $0x10;
	[tilespmem:$0x2870] =	vst v24  }
0x35: {  	v27 =	vand.u32 $0xFFFF, v20;
	[tilespmem:$0x28F0] =	vst v25  }
0x36: {  	v29 =	vld [tilespmem:$0xB0];
	v28 =	vshra.s32 v20, $0x10;
	[tilespmem:$0x2900] =	vst v27  }
0x37: {  	v30 =	vand.u32 $0xFFFF, v23;
	[tilespmem:$0x2980] =	vst v28  }
0x38: {  	v32 =	vld [tilespmem:$0xC0];
	v31 =	vshra.s32 v23, $0x10;
	[tilespmem:$0x2910] =	vst v30  }
0x39: {  	v33 =	vand.u32 $0xFFFF, v26;
	[tilespmem:$0x2990] =	vst v31  }
0x3a: {  	v35 =	vld [tilespmem:$0xD0];
	v34 =	vshra.s32 v26, $0x10;
	[tilespmem:$0x2920] =	vst v33  }
0x3b: {  	v36 =	vand.u32 $0xFFFF, v29;
	[tilespmem:$0x29A0] =	vst v34  }
0x3c: {  	v38 =	vld [tilespmem:$0xE0];
	v37 =	vshra.s32 v29, $0x10;
	[tilespmem:$0x2930] =	vst v36  }
0x3d: {  	v39 =	vand.u32 $0xFFFF, v32;
	[tilespmem:$0x29B0] =	vst v37  }
0x3e: {  	v41 =	vld [tilespmem:$0xF0];
	v40 =	vshra.s32 v32, $0x10;
	[tilespmem:$0x2940] =	vst v39  }
0x3f: {  	v42 =	vand.u32 $0xFFFF, v35;
	[tilespmem:$0x29C0] =	vst v40  }
0x40: {  	v43 =	vshra.s32 v35, $0x10;
	[tilespmem:$0x2950] =	vst v42  }
0x41: {  	v44 =	vand.u32 $0xFFFF, v38;
	[tilespmem:$0x29D0] =	vst v43  }
0x42: {  	v45 =	vshra.s32 v38, $0x10;
	[tilespmem:$0x2960] =	vst v44  }
0x43: {  	v46 =	vand.u32 $0xFFFF, v41;
	[tilespmem:$0x29E0] =	vst v45  }
0x44: {  	v47 =	vshra.s32 v41, $0x10;
	[tilespmem:$0x2970] =	vst v46  }
0x45: {  	[tilespmem:$0x29F0] =	vst v47  }
0x46: {  	[tilespmem:s18], [sflag:$0x1] =	stream.indirect.gather [hbm4b:s1+s16], $0x80, s17, s16, $0xb8;
	[tilespmem:$0x1E2C0] =	vst v63  }
0x47: {  	_ = 	snop  }
0x48: {  	[tilespmem:s20], [sflag:$0x2] =	stream.indirect.gather [hbm4b:s1+s16], $0x80, s19, s16, $0xb8;
	[tilespmem:$0x1E2C0] =	vst v63  }
0x49: {  	_ =	swait.ge [sflag:s21], $0x2700  }
0x4a: {  	[sflag:s21] =	ssyncset.done $0x0  }
0x4b: {  	[sflag:s21] =	ssyncadd.s32 $0xFFFFD900  }
0x4c: {  	[bflag:$0x0] =	sbarrier.arrive $0xFFFF  }
0x4d: {  	_ =	swait.ge [sflag:s22], $0x4000  }
0x4e: {  	[sflag:s22] =	ssyncset.done $0x0  }
0x4f: {  	[sflag:s22] =	ssyncadd.s32 $0xFFFFC000  }
0x50: {  	[spmem:s3] =	stream.indirect.scatter.add.f32 [tilespmem:s18], [sflag:$0x5], $0x80, s23, s16, $0xb8;
	[tilespmem:$0x1E2C0] =	vst v63  }
0x51: {  	_ =	swait.ge [sflag:s15], $0x4000  }
0x52: {  	[sflag:s15] =	ssyncset.done $0x0  }
0x53: {  	s28 =	simm.s32 $0x1F0;
	[sflag:s15] =	ssyncadd.s32 $0xFFFFC000  }
0x54: {  	v48 =	vld [tilespmem:s28+$0xFFFFFF10];
	_ =	sdelay $0x4  }
0x55: {  	v49 =	vand.u32 $0xFFFF, v48  }
0x56: {  	v0 =	vshra.s32 v48, $0x10;
	[tilespmem:$0x2800] =	vst v49  }
0x57: {  	[tilespmem:$0x2880] =	vst v0  }
0x58: {  	v0 =	vld [tilespmem:s28+$0xFFFFFF20];
	_ =	sdelay $0x4  }
0x59: {  	v50 =	vand.u32 $0xFFFF, v0  }
0x5a: {  	v0 =	vshra.s32 v0, $0x10;
	[tilespmem:$0x2810] =	vst v50  }
0x5b: {  	[tilespmem:$0x2890] =	vst v0  }
0x5c: {  	v0 =	vld [tilespmem:s28+$0xFFFFFF30];
	_ =	sdelay $0x4  }
0x5d: {  	v51 =	vand.u32 $0xFFFF, v0  }
0x5e: {  	v0 =	vshra.s32 v0, $0x10;
	[tilespmem:$0x2820] =	vst v51  }
0x5f: {  	[tilespmem:$0x28A0] =	vst v0  }
0x60: {  	v0 =	vld [tilespmem:s28+$0xFFFFFF40];
	_ =	sdelay $0x4  }
0x61: {  	v52 =	vand.u32 $0xFFFF, v0  }
0x62: {  	v0 =	vshra.s32 v0, $0x10;
	[tilespmem:$0x2830] =	vst v52  }
0x63: {  	[tilespmem:$0x28B0] =	vst v0  }
0x64: {  	v0 =	vld [tilespmem:s28+$0xFFFFFF50];
	_ =	sdelay $0x4  }
0x65: {  	v53 =	vand.u32 $0xFFFF, v0  }
0x66: {  	v0 =	vshra.s32 v0, $0x10;
	[tilespmem:$0x2840] =	vst v53  }
0x67: {  	[tilespmem:$0x28C0] =	vst v0  }
0x68: {  	v0 =	vld [tilespmem:s28+$0xFFFFFF60];
	_ =	sdelay $0x4  }
0x69: {  	v54 =	vand.u32 $0xFFFF, v0  }
0x6a: {  	v0 =	vshra.s32 v0, $0x10;
	[tilespmem:$0x2850] =	vst v54  }
0x6b: {  	[tilespmem:$0x28D0] =	vst v0  }
0x6c: {  	v0 =	vld [tilespmem:s28+$0xFFFFFF70];
	_ =	sdelay $0x4  }
0x6d: {  	v55 =	vand.u32 $0xFFFF, v0  }
0x6e: {  	v0 =	vshra.s32 v0, $0x10;
	[tilespmem:$0x2860] =	vst v55  }
0x6f: {  	[tilespmem:$0x28E0] =	vst v0  }
0x70: {  	v0 =	vld [tilespmem:s28+$0xFFFFFF80];
	_ =	sdelay $0x4  }
0x71: {  	v56 =	vand.u32 $0xFFFF, v0  }
0x72: {  	v0 =	vshra.s32 v0, $0x10;
	[tilespmem:$0x2870] =	vst v56  }
0x73: {  	[tilespmem:$0x28F0] =	vst v0  }
0x74: {  	[tilespmem:s18], [sflag:$0x1] =	stream.indirect.gather [hbm4b:s1+s16], $0x80, s17, s16, $0xb8;
	[tilespmem:$0x1E2C0] =	vst v63  }
0x75: {  	_ =	swait.ge [sflag:s24], $0x4000  }
0x76: {  	[sflag:s24] =	ssyncset.done $0x0  }
0x77: {  	[sflag:s24] =	ssyncadd.s32 $0xFFFFC000  }
0x78: {  	[spmem:s3] =	stream.indirect.scatter.add.f32 [tilespmem:s20], [sflag:$0x5], $0x80, s25, s16, $0xb8;
	[tilespmem:$0x1E2C0] =	vst v63  }
0x79: {  	_ =	swait.ge [sflag:s15], $0x4000  }
0x7a: {  	[sflag:s15] =	ssyncset.done $0x0  }
0x7b: {  	[sflag:s15] =	ssyncadd.s32 $0xFFFFC000  }
0x7c: {  	v57 =	vld [tilespmem:s28+$0xFFFFFF90];
	_ =	sdelay $0x4  }
0x7d: {  	v58 =	vand.u32 $0xFFFF, v57  }
0x7e: {  	v0 =	vshra.s32 v57, $0x10;
	[tilespmem:$0x2900] =	vst v58  }
0x7f: {  	[tilespmem:$0x2980] =	vst v0  }
0x80: {  	v0 =	vld [tilespmem:s28+$0xFFFFFFA0];
	_ =	sdelay $0x4  }
0x81: {  	v59 =	vand.u32 $0xFFFF, v0  }
0x82: {  	v0 =	vshra.s32 v0, $0x10;
	[tilespmem:$0x2910] =	vst v59  }
0x83: {  	[tilespmem:$0x2990] =	vst v0  }
0x84: {  	v0 =	vld [tilespmem:s28+$0xFFFFFFB0];
	_ =	sdelay $0x4  }
0x85: {  	v60 =	vand.u32 $0xFFFF, v0  }
0x86: {  	v0 =	vshra.s32 v0, $0x10;
	[tilespmem:$0x2920] =	vst v60  }
0x87: {  	[tilespmem:$0x29A0] =	vst v0  }
0x88: {  	v0 =	vld [tilespmem:s28+$0xFFFFFFC0];
	_ =	sdelay $0x4  }
0x89: {  	v61 =	vand.u32 $0xFFFF, v0  }
0x8a: {  	v0 =	vshra.s32 v0, $0x10;
	[tilespmem:$0x2930] =	vst v61  }
0x8b: {  	[tilespmem:$0x29B0] =	vst v0  }
0x8c: {  	v0 =	vld [tilespmem:s28+$0xFFFFFFD0];
	_ =	sdelay $0x4  }
0x8d: {  	v62 =	vand.u32 $0xFFFF, v0  }
0x8e: {  	v0 =	vshra.s32 v0, $0x10;
	[tilespmem:$0x2940] =	vst v62  }
0x8f: {  	[tilespmem:$0x29C0] =	vst v0  }
0x90: {  	v0 =	vld [tilespmem:s28+$0xFFFFFFE0];
	_ =	sdelay $0x4  }
0x91: {  	v63 =	vand.u32 $0xFFFF, v0  }
0x92: {  	v0 =	vshra.s32 v0, $0x10;
	[tilespmem:$0x2950] =	vst v63  }
0x93: {  	s29 =	simm.s32 $0xBC0;
	[tilespmem:$0x29D0] =	vst v0  }
.LBB2_2:
0x94: {  	p1 =	sne.s32 s29, $0x9FC0;
	v0 =	vld [tilespmem:s28+$0xFFFFFFF0];
	s30 =	smov.u32 s29;
	s29 =	sadd.s32 $0x400, s29  }
0x95: {  	_ =	sdelay $0x3  }
0x96: {  	v1 =	vand.u32 $0xFFFF, v0;
	v0 =	vshra.s32 v0, $0x10  }
0x97: {  	[tilespmem:$0x2960] =	vst v1  }
0x98: {  	[tilespmem:$0x29E0] =	vst v0  }
0x99: {  	v0 =	vld [tilespmem:s28+$0x0];
	_ =	sdelay $0x4  }
0x9a: {  	v1 =	vand.u32 $0xFFFF, v0;
	v0 =	vshra.s32 v0, $0x10  }
0x9b: {  	[tilespmem:$0x2970] =	vst v1  }
0x9c: {  	[tilespmem:$0x29F0] =	vst v0  }
0x9d: {  	[tilespmem:s20], [sflag:$0x2] =	stream.indirect.gather [hbm4b:s1+s16], $0x80, s19, s16, $0xb8;
	[tilespmem:$0x1E2C0] =	vst v63  }
0x9e: {  	_ =	swait.ge [sflag:s22], $0x4000  }
0x9f: {  	[sflag:s22] =	ssyncset.done $0x0  }
0xa0: {  	[sflag:s22] =	ssyncadd.s32 $0xFFFFC000  }
0xa1: {  	[spmem:s3] =	stream.indirect.scatter.add.f32 [tilespmem:s18], [sflag:$0x5], $0x80, s23, s16, $0xb8;
	[tilespmem:$0x1E2C0] =	vst v63  }
0xa2: {  	_ =	swait.ge [sflag:s15], $0x4000  }
0xa3: {  	[sflag:s15] =	ssyncset.done $0x0  }
0xa4: {  	s28 =	sshra.s32 s30, $0x2;
	[sflag:s15] =	ssyncadd.s32 $0xFFFFC000  }
0xa5: {  	v0 =	vld [tilespmem:s28+$0xFFFFFF10];
	_ =	sdelay $0x4  }
0xa6: {  	v1 =	vand.u32 $0xFFFF, v0;
	v0 =	vshra.s32 v0, $0x10  }
0xa7: {  	[tilespmem:$0x2800] =	vst v1  }
0xa8: {  	[tilespmem:$0x2880] =	vst v0  }
0xa9: {  	v0 =	vld [tilespmem:s28+$0xFFFFFF20];
	_ =	sdelay $0x4  }
0xaa: {  	v1 =	vand.u32 $0xFFFF, v0;
	v0 =	vshra.s32 v0, $0x10  }
0xab: {  	[tilespmem:$0x2810] =	vst v1  }
0xac: {  	[tilespmem:$0x2890] =	vst v0  }
0xad: {  	v0 =	vld [tilespmem:s28+$0xFFFFFF30];
	_ =	sdelay $0x4  }
0xae: {  	v1 =	vand.u32 $0xFFFF, v0;
	v0 =	vshra.s32 v0, $0x10  }
0xaf: {  	[tilespmem:$0x2820] =	vst v1  }
0xb0: {  	[tilespmem:$0x28A0] =	vst v0  }
0xb1: {  	v0 =	vld [tilespmem:s28+$0xFFFFFF40];
	_ =	sdelay $0x4  }
0xb2: {  	v1 =	vand.u32 $0xFFFF, v0;
	v0 =	vshra.s32 v0, $0x10  }
0xb3: {  	[tilespmem:$0x2830] =	vst v1  }
0xb4: {  	[tilespmem:$0x28B0] =	vst v0  }
0xb5: {  	v0 =	vld [tilespmem:s28+$0xFFFFFF50];
	_ =	sdelay $0x4  }
0xb6: {  	v1 =	vand.u32 $0xFFFF, v0;
	v0 =	vshra.s32 v0, $0x10  }
0xb7: {  	[tilespmem:$0x2840] =	vst v1  }
0xb8: {  	[tilespmem:$0x28C0] =	vst v0  }
0xb9: {  	v0 =	vld [tilespmem:s28+$0xFFFFFF60];
	_ =	sdelay $0x4  }
0xba: {  	v1 =	vand.u32 $0xFFFF, v0;
	v0 =	vshra.s32 v0, $0x10  }
0xbb: {  	[tilespmem:$0x2850] =	vst v1  }
0xbc: {  	[tilespmem:$0x28D0] =	vst v0  }
0xbd: {  	v0 =	vld [tilespmem:s28+$0xFFFFFF70];
	_ =	sdelay $0x4  }
0xbe: {  	v1 =	vand.u32 $0xFFFF, v0;
	v0 =	vshra.s32 v0, $0x10  }
0xbf: {  	[tilespmem:$0x2860] =	vst v1  }
0xc0: {  	[tilespmem:$0x28E0] =	vst v0  }
0xc1: {  	v0 =	vld [tilespmem:s28+$0xFFFFFF80];
	_ =	sdelay $0x4  }
0xc2: {  	v1 =	vand.u32 $0xFFFF, v0;
	v0 =	vshra.s32 v0, $0x10  }
0xc3: {  	[tilespmem:$0x2870] =	vst v1  }
0xc4: {  	[tilespmem:$0x28F0] =	vst v0  }
0xc5: {  	[tilespmem:s18], [sflag:$0x1] =	stream.indirect.gather [hbm4b:s1+s16], $0x80, s17, s16, $0xb8;
	[tilespmem:$0x1E2C0] =	vst v63  }
0xc6: {  	_ =	swait.ge [sflag:s24], $0x4000  }
0xc7: {  	[sflag:s24] =	ssyncset.done $0x0  }
0xc8: {  	[sflag:s24] =	ssyncadd.s32 $0xFFFFC000  }
0xc9: {  	[spmem:s3] =	stream.indirect.scatter.add.f32 [tilespmem:s20], [sflag:$0x5], $0x80, s25, s16, $0xb8;
	[tilespmem:$0x1E2C0] =	vst v63  }
0xca: {  	_ =	swait.ge [sflag:s15], $0x4000  }
0xcb: {  	[sflag:s15] =	ssyncset.done $0x0  }
0xcc: {  	[sflag:s15] =	ssyncadd.s32 $0xFFFFC000  }
0xcd: {  	v0 =	vld [tilespmem:s28+$0xFFFFFF90];
	_ =	sdelay $0x4  }
0xce: {  	v1 =	vand.u32 $0xFFFF, v0;
	v0 =	vshra.s32 v0, $0x10  }
0xcf: {  	[tilespmem:$0x2900] =	vst v1  }
0xd0: {  	[tilespmem:$0x2980] =	vst v0  }
0xd1: {  	v0 =	vld [tilespmem:s28+$0xFFFFFFA0];
	_ =	sdelay $0x4  }
0xd2: {  	v1 =	vand.u32 $0xFFFF, v0;
	v0 =	vshra.s32 v0, $0x10  }
0xd3: {  	[tilespmem:$0x2910] =	vst v1  }
0xd4: {  	[tilespmem:$0x2990] =	vst v0  }
0xd5: {  	v0 =	vld [tilespmem:s28+$0xFFFFFFB0];
	_ =	sdelay $0x4  }
0xd6: {  	v1 =	vand.u32 $0xFFFF, v0;
	v0 =	vshra.s32 v0, $0x10  }
0xd7: {  	[tilespmem:$0x2920] =	vst v1  }
0xd8: {  	[tilespmem:$0x29A0] =	vst v0  }
0xd9: {  	v0 =	vld [tilespmem:s28+$0xFFFFFFC0];
	_ =	sdelay $0x4  }
0xda: {  	v1 =	vand.u32 $0xFFFF, v0;
	v0 =	vshra.s32 v0, $0x10  }
0xdb: {  	[tilespmem:$0x2930] =	vst v1  }
0xdc: {  	[tilespmem:$0x29B0] =	vst v0  }
0xdd: {  	v0 =	vld [tilespmem:s28+$0xFFFFFFD0];
	_ =	sdelay $0x4  }
0xde: {  	v1 =	vand.u32 $0xFFFF, v0;
	v0 =	vshra.s32 v0, $0x10  }
0xdf: {  	[tilespmem:$0x2940] =	vst v1  }
0xe0: {  	[tilespmem:$0x29C0] =	vst v0  }
0xe1: {  	v0 =	vld [tilespmem:s28+$0xFFFFFFE0];
	_ =	sdelay $0x2  }
.Ltmp0:
0xe2: {  	(pc) =	sbr.rel @p1 .LBB2_2-.Ltmp0, $4  }
0xe3: {  	_ = 	snop  }
0xe4: {  	v1 =	vand.u32 $0xFFFF, v0;
	v0 =	vshra.s32 v0, $0x10  }
0xe5: {  	[tilespmem:$0x2950] =	vst v1  }
0xe6: {  	[tilespmem:$0x29D0] =	vst v0  }
0xe7: {  	v0 =	vld [tilespmem:s28+$0xFFFFFFF0];
	_ =	sdelay $0x4  }
0xe8: {  	v1 =	vand.u32 $0xFFFF, v0  }
0xe9: {  	v0 =	vshra.s32 v0, $0x10;
	[tilespmem:$0x2960] =	vst v1  }
0xea: {  	[tilespmem:$0x29E0] =	vst v0  }
0xeb: {  	v0 =	vld [tilespmem:s28+$0x0];
	_ =	sdelay $0x4  }
0xec: {  	v63 =	vand.u32 $0xFFFF, v0  }
0xed: {  	v0 =	vshra.s32 v0, $0x10;
	[tilespmem:$0x2970] =	vst v63  }
0xee: {  	[tilespmem:$0x29F0] =	vst v0  }
0xef: {  	[tilespmem:s20], [sflag:$0x2] =	stream.indirect.gather [hbm4b:s1+s16], $0x80, s19, s16, $0xb8;
	[tilespmem:$0x1E2C0] =	vst v63  }
0xf0: {  	_ =	swait.ge [sflag:s22], $0x4000  }
0xf1: {  	[sflag:s22] =	ssyncset.done $0x0  }
0xf2: {  	[sflag:s22] =	ssyncadd.s32 $0xFFFFC000  }
0xf3: {  	[spmem:s3] =	stream.indirect.scatter.add.f32 [tilespmem:s18], [sflag:$0x5], $0x80, s23, s16, $0xb8;
	[tilespmem:$0x1E2C0] =	vst v63  }
0xf4: {  	_ =	swait.ge [sflag:s15], $0x4000  }
0xf5: {  	[sflag:s15] =	ssyncset.done $0x0  }
0xf6: {  	[sflag:s15] =	ssyncadd.s32 $0xFFFFC000  }
0xf7: {  	_ =	swait.ge [sflag:s24], $0x4000  }
0xf8: {  	[sflag:s24] =	ssyncset.done $0x0  }
0xf9: {  	[sflag:s24] =	ssyncadd.s32 $0xFFFFC000  }
0xfa: {  	[spmem:s3] =	stream.indirect.scatter.add.f32 [tilespmem:s20], [sflag:$0x5], $0x80, s25, s16, $0xb8;
	[tilespmem:$0x1E2C0] =	vst v63  }
0xfb: {  	_ =	swait.ge [sflag:s15], $0x4000  }
0xfc: {  	[sflag:s15] =	ssyncset.done $0x0  }
0xfd: {  	[sflag:s15] =	ssyncadd.s32 $0xFFFFC000  }
0xfe: {  	s28 =	sor.u32 $0x1C05, s5;
	[bflag:$0x0] =	sbarrier.arrive $0xFFFF  }
0xff: {  	[hbm:s10], [sflag:s28] =	dma.local [spmem:s13], $0x2700  }
0x100: {  	_ =	swait.ge [sflag:s15], $0x2700  }
0x101: {  	s26 =	sadd.s32 $0x1, s26;
	[sflag:s15] =	ssyncset.done $0x0  }
0x102: {  	p1 =	sne.s32 s26, s12;
	[sflag:s15] =	ssyncadd.s32 $0xFFFFD900  }
0x103: {  	[hbm:s11], [sflag:s28] =	dma.local @!p0 [spmem:s14], $0x100  }
.Ltmp1:
0x104: {  	_ = 	snop;
	(pc) =	sbr.rel @p1 .LBB2_1-.Ltmp1, $4  }
0x105: {  	s28 =	simm.s32 @!p0 $0x5  }
0x106: {  	_ =	swait.ge @!p0 [sflag:s28], $0x100  }
0x107: {  	[sflag:s28] =	ssyncset.done @!p0 $0x0  }
0x108: {  	[sflag:s28] =	ssyncadd.s32 @!p0 $0xFFFFFF00  }
0x109: {  	_ =	sfence.sel $0x180000  }
0x10a: {  	[bflag:$0x0] =	sbarrier.arrive $0xFFFF  }
0x10b: {  	p0 =	sne.s32 s2, $0x0;
	_ =	strace $0x90000047  }
0x10c: {  	s0 =	sadd.s32 @!p0 $0x100000, s0;
	[bflag:$0x2] =	sbarrier.arrive $0xFFFF  }
0x10d: {  	[sflag:s0] =	ssyncadd.tile.s32 @!p0 $0x1;
	_ =	shalt  }
.Lfunc_end2:
_tile_overlayer_lowered:
.L_overlay_start_2:
0x10e: {  	(tag) =	ssettag $0x2  }
0x10f: {  	s0 =	rddreg [dreg:$0x0];
	s2 =	stileid.u32  }
0x110: {  	s1 =	rddreg [dreg:$0x1];
	p0 =	sne.s32 s2, $0x0  }
0x111: {  	s3 =	rddreg [dreg:$0x2];
	[bflag:$0x3] =	sbarrier.arrive $0xFFFF;
	s2 =	simm.s32 @!p0 $0x1C05  }
0x112: {  	[timem:s3], [sflag:s2] =	dma.local @!p0 [hbm:s0], s1  }
0x113: {  	s0 =	simm.s32 @!p0 $0x5  }
0x114: {  	_ =	swait.ge @!p0 [sflag:s0], s1  }
0x115: {  	s1 =	ssub.s32 @!p0 $0x0, s1;
	[sflag:s0] =	ssyncset.done @!p0 $0x0  }
0x116: {  	[sflag:s0] =	ssyncadd.s32 @!p0 s1  }
0x117: {  	[bflag:$0x3] =	sbarrier.arrive $0xFFFF  }
0x118: {  	_ =	shalt  }

</sc_bundles>
